<compile_context>
chip_gen: v7x
topology: tpu7x:2x2x1
jax: 0.10.2.dev20260603
libtpu: 0.0.44.dev20260713+nightly
codegen_flags: <defaults>
</compile_context>

<pallas_src>
import functools

import jax
import jax.numpy as jnp
from jax import lax
from jax.experimental import pallas as pl
from jax.experimental.pallas import tpu as pltpu
from jax.experimental.pallas import tpu_sc as plsc

_LANES = 16
_IGNORE_INDEX = -100


@functools.lru_cache(maxsize=None)
def _make_nll_kernel(B: int, C: int):
    num_subcores = 16
    b_per_w = B // num_subcores
    chunks = b_per_w // _LANES
    mesh = plsc.VectorSubcoreMesh(
        core_axis_name="c", subcore_axis_name="s", num_cores=1
    )

    @functools.partial(
        pl.kernel,
        out_type=jax.ShapeDtypeStruct((_LANES,), jnp.float32),
        mesh=mesh,
        compiler_params=pltpu.CompilerParams(needs_layout_passes=False),
        scratch_types=[
            pltpu.VMEM((b_per_w,), jnp.int32),
            pltpu.VMEM((b_per_w,), jnp.int32),
            pltpu.VMEM((b_per_w, 8, 128), jnp.float32),
            pltpu.VMEM((2 * _LANES,), jnp.float32),
            pltpu.VMEM_SHARED((num_subcores * 2 * _LANES,), jnp.float32),
            pltpu.VMEM((num_subcores * 2 * _LANES,), jnp.float32),
            pltpu.VMEM((_LANES,), jnp.float32),
            pltpu.VMEM((_LANES,), jnp.float32),
            pltpu.SemaphoreType.DMA,
        ],
    )
    def nll_kernel(predsT_hbm, tgt_hbm, out_hbm,
                   tgt_v, idx_v, slab_v, part_v, shared, all_v, res_v,
                   bfly_v, sem):
        sid = lax.axis_index("s")
        base = sid * b_per_w

        pltpu.sync_copy(tgt_hbm.at[pl.ds(base, b_per_w)], tgt_v)

        lane = lax.iota(jnp.int32, _LANES)
        for j in range(chunks):
            t = tgt_v[pl.ds(j * _LANES, _LANES)]
            safe = jnp.minimum(jnp.maximum(t, 0), C - 1)
            idx_v[pl.ds(j * _LANES, _LANES)] = safe >> 3

        c0 = pl.multiple_of((base >> 7) << 7, 128)
        view3 = predsT_hbm.reshape(C // 8, 8, B)
        pltpu.async_copy(
            view3.at[idx_v, :, pl.ds(c0, 128)], slab_v, sem
        ).wait()

        acc = jnp.zeros((_LANES,), jnp.float32)
        cnt = jnp.zeros((_LANES,), jnp.float32)
        for j in range(chunks):
            t = tgt_v[pl.ds(j * _LANES, _LANES)]
            valid = t != _IGNORE_INDEX
            safe = jnp.minimum(jnp.maximum(t, 0), C - 1)
            sample = j * _LANES + lane
            colw = (base + sample) & 127
            v = plsc.load_gather(slab_v, [sample, safe & 7, colw])
            acc = acc + jnp.where(valid, -v, 0.0)
            cnt = cnt + jnp.where(valid, 1.0, 0.0)

        part_v[pl.ds(0, _LANES)] = acc
        part_v[pl.ds(_LANES, _LANES)] = cnt
        pltpu.sync_copy(part_v, shared.at[pl.ds(sid * 2 * _LANES, 2 * _LANES)])
        plsc.subcore_barrier()

        pltpu.sync_copy(shared, all_v)
        tot = jnp.zeros((_LANES,), jnp.float32)
        num = jnp.zeros((_LANES,), jnp.float32)
        for w in range(num_subcores):
            tot = tot + all_v[pl.ds(w * 2 * _LANES, _LANES)]
            num = num + all_v[pl.ds(w * 2 * _LANES + _LANES, _LANES)]

        def lane_sum(vec):
            for shift in (8, 4, 2, 1):
                bfly_v[...] = vec
                vec = vec + plsc.load_gather(bfly_v, [lane ^ shift])
            return vec

        s = lane_sum(tot)
        n = lane_sum(num)
        res_v[...] = s / jnp.maximum(n, 1.0)

        @pl.when(sid == 0)
        def _():
            pltpu.sync_copy(res_v, out_hbm)

    return nll_kernel


def kernel(predictions, targets):
    B, C = predictions.shape
    tgt = targets.astype(jnp.int32)
    out = _make_nll_kernel(B, C)(predictions.T, tgt)
    return out[0]

# --- scband reference (transcript-rebuilt; emitter-appended) ---
"""Pipeline reference for scband-nllloss-87909390614917 (READ-ONLY COPY).

The authoritative reference and input builder live on the scoring server;
editing this copy changes nothing except your own understanding.
"""

import jax, jax.numpy as jnp
import numpy as np


def setup_inputs(seed: int = 0) -> dict:
    key = jax.random.key(seed)
    k1, k2 = jax.random.split(key)
    predictions = jax.random.normal(k1, (1024, 100000), dtype=jnp.float32)
    targets = jax.random.randint(k2, (1024,), 0, 100000, dtype=jnp.int64)
    return {"predictions": predictions, "targets": targets}


def reference(predictions, targets):
    ignore_index = -100
    # mask of valid (non-ignored) targets
    valid = (targets != ignore_index)
    # clip indices so gather is safe even for ignored entries
    safe_targets = jnp.clip(targets, 0, predictions.shape[1] - 1)
    # gather log-probability of the target class per row
    picked = jnp.take_along_axis(predictions, safe_targets[:, None], axis=1)[:, 0]
    per_sample = -picked
    per_sample = jnp.where(valid, per_sample, 0.0)
    # reduction='mean': average over non-ignored targets (matches torch NLLLoss)
    n_valid = jnp.sum(valid.astype(predictions.dtype))
    return jnp.sum(per_sample) / jnp.maximum(n_valid, 1.0)

if __name__ == "__main__":
    import jax
    _d = setup_inputs()
    print(jax.jit(kernel)(*tuple(_d.values())))

</pallas_src>

<mosaic_0001>
#map = affine_map<(d0, d1) -> (0, 0)>
#map1 = affine_map<(d0, d1) -> (0)>
module attributes {stable_mosaic.version = 14 : i64} {
  func.func @nll_kernel(%arg0: i32, %arg1: i32, %arg2: memref<100000x1024xf32, #tpu.memory_space<hbm>>, %arg3: memref<1024xi32, #tpu.memory_space<hbm>>, %arg4: memref<16xf32, #tpu.memory_space<hbm>>, %arg5: memref<64xi32, #tpu.memory_space<vmem>>, %arg6: memref<64xi32, #tpu.memory_space<vmem>>, %arg7: memref<64x8x128xf32, #tpu.memory_space<vmem>>, %arg8: memref<32xf32, #tpu.memory_space<vmem>>, %arg9: memref<512xf32, #tpu.memory_space<vmem_shared>>, %arg10: memref<512xf32, #tpu.memory_space<vmem>>, %arg11: memref<16xf32, #tpu.memory_space<vmem>>, %arg12: memref<16xf32, #tpu.memory_space<vmem>>, %arg13: memref<!tpu.dma_semaphore, #tpu.memory_space<semaphore_mem>>) attributes {dimension_semantics = [#tpu.dimension_semantics<core_parallel>, #tpu.dimension_semantics<subcore_parallel>], iteration_bounds = array<i64: 1, 16>, scalar_prefetch = 0 : i64, scratch_operands = 9 : i64, tpu.core_type = #tpu.core_type<sc_vector_subcore>, window_params = [{transform_indices = #map}, {transform_indices = #map1}, {transform_indices = #map1}]} {
    %mul3A = arith.constant 64 : i32
    %mul3A_0 = arith.muli %arg1, %mul3A : i32
    "tpu.region"() ({
      %run_scoped3A = tpu.sem_alloc : memref<!tpu.dma_semaphore, #tpu.memory_space<semaphore_mem>>
      %dma_start3A_367 = tpu.memref_slice %arg3[%mul3A_0] : memref<1024xi32, #tpu.memory_space<hbm>> -> memref<64xi32, #tpu.memory_space<hbm>>
      %dma_start3A_368 = tpu.memref_slice %arg3[%mul3A_0] : memref<1024xi32, #tpu.memory_space<hbm>> -> memref<64xi32, #tpu.memory_space<hbm>>
      tpu.enqueue_dma source(%dma_start3A_368 : memref<64xi32, #tpu.memory_space<hbm>>) target(%arg5 : memref<64xi32, #tpu.memory_space<vmem>>) target_semaphore(%run_scoped3A : memref<!tpu.dma_semaphore, #tpu.memory_space<semaphore_mem>>)
      %dma_wait3A_369 = tpu.memref_slice %arg3[%mul3A_0] : memref<1024xi32, #tpu.memory_space<hbm>> -> memref<64xi32, #tpu.memory_space<hbm>>
      %dma_wait3A_370 = tpu.memref_slice %arg3[%mul3A_0] : memref<1024xi32, #tpu.memory_space<hbm>> -> memref<64xi32, #tpu.memory_space<hbm>>
      tpu.wait_dma2 semaphore(%run_scoped3A : memref<!tpu.dma_semaphore, #tpu.memory_space<semaphore_mem>>) src(%dma_wait3A_370 : memref<64xi32, #tpu.memory_space<hbm>>) dst(%arg5 : memref<64xi32, #tpu.memory_space<vmem>>)
      tpu.yield
    }) : () -> ()
    %iota3A = tpu.iota {dimensions = array<i32: 0>} : vector<16xi32>
    %get3A = arith.constant 0 : index
    %get3A_1 = tpu.vector_load %arg5[%get3A] {strides = array<i32>} : memref<64xi32, #tpu.memory_space<vmem>>, vector<16xi32>,
    %max3A = arith.constant 0 : i32
    %max3A_2 = vector.broadcast %max3A : i32 to vector<16xi32>
    %max3A_3 = arith.maxsi %get3A_1, %max3A_2 : vector<16xi32>
    %min3A = arith.constant 99999 : i32
    %min3A_4 = vector.broadcast %min3A : i32 to vector<16xi32>
    %min3A_5 = arith.minsi %max3A_3, %min3A_4 : vector<16xi32>
    %shift_right_arithmetic3A = arith.constant 3 : i32
    %shift_right_arithmetic3A_6 = vector.broadcast %shift_right_arithmetic3A : i32 to vector<16xi32>
    %shift_right_arithmetic3A_7 = arith.shrsi %min3A_5, %shift_right_arithmetic3A_6 : vector<16xi32>
    %swap3A = arith.constant 0 : index
    %swap3A_8 = tpu.vector_load %arg6[%swap3A] {strides = array<i32>} : memref<64xi32, #tpu.memory_space<vmem>>, vector<16xi32>,
    tpu.vector_store %arg6[%swap3A], %shift_right_arithmetic3A_7 {strides = array<i32>} : memref<64xi32, #tpu.memory_space<vmem>>, vector<16xi32>,
    %get3A_9 = arith.constant 16 : index
    %get3A_10 = tpu.vector_load %arg5[%get3A_9] {strides = array<i32>} : memref<64xi32, #tpu.memory_space<vmem>>, vector<16xi32>,
    %max3A_11 = arith.constant 0 : i32
    %max3A_12 = vector.broadcast %max3A_11 : i32 to vector<16xi32>
    %max3A_13 = arith.maxsi %get3A_10, %max3A_12 : vector<16xi32>
    %min3A_14 = arith.constant 99999 : i32
    %min3A_15 = vector.broadcast %min3A_14 : i32 to vector<16xi32>
    %min3A_16 = arith.minsi %max3A_13, %min3A_15 : vector<16xi32>
    %shift_right_arithmetic3A_17 = arith.constant 3 : i32
    %shift_right_arithmetic3A_18 = vector.broadcast %shift_right_arithmetic3A_17 : i32 to vector<16xi32>
    %shift_right_arithmetic3A_19 = arith.shrsi %min3A_16, %shift_right_arithmetic3A_18 : vector<16xi32>
    %swap3A_20 = arith.constant 16 : index
    %swap3A_21 = tpu.vector_load %arg6[%swap3A_20] {strides = array<i32>} : memref<64xi32, #tpu.memory_space<vmem>>, vector<16xi32>,
    tpu.vector_store %arg6[%swap3A_20], %shift_right_arithmetic3A_19 {strides = array<i32>} : memref<64xi32, #tpu.memory_space<vmem>>, vector<16xi32>,
    %get3A_22 = arith.constant 32 : index
    %get3A_23 = tpu.vector_load %arg5[%get3A_22] {strides = array<i32>} : memref<64xi32, #tpu.memory_space<vmem>>, vector<16xi32>,
    %max3A_24 = arith.constant 0 : i32
    %max3A_25 = vector.broadcast %max3A_24 : i32 to vector<16xi32>
    %max3A_26 = arith.maxsi %get3A_23, %max3A_25 : vector<16xi32>
    %min3A_27 = arith.constant 99999 : i32
    %min3A_28 = vector.broadcast %min3A_27 : i32 to vector<16xi32>
    %min3A_29 = arith.minsi %max3A_26, %min3A_28 : vector<16xi32>
    %shift_right_arithmetic3A_30 = arith.constant 3 : i32
    %shift_right_arithmetic3A_31 = vector.broadcast %shift_right_arithmetic3A_30 : i32 to vector<16xi32>
    %shift_right_arithmetic3A_32 = arith.shrsi %min3A_29, %shift_right_arithmetic3A_31 : vector<16xi32>
    %swap3A_33 = arith.constant 32 : index
    %swap3A_34 = tpu.vector_load %arg6[%swap3A_33] {strides = array<i32>} : memref<64xi32, #tpu.memory_space<vmem>>, vector<16xi32>,
    tpu.vector_store %arg6[%swap3A_33], %shift_right_arithmetic3A_32 {strides = array<i32>} : memref<64xi32, #tpu.memory_space<vmem>>, vector<16xi32>,
    %get3A_35 = arith.constant 48 : index
    %get3A_36 = tpu.vector_load %arg5[%get3A_35] {strides = array<i32>} : memref<64xi32, #tpu.memory_space<vmem>>, vector<16xi32>,
    %max3A_37 = arith.constant 0 : i32
    %max3A_38 = vector.broadcast %max3A_37 : i32 to vector<16xi32>
    %max3A_39 = arith.maxsi %get3A_36, %max3A_38 : vector<16xi32>
    %min3A_40 = arith.constant 99999 : i32
    %min3A_41 = vector.broadcast %min3A_40 : i32 to vector<16xi32>
    %min3A_42 = arith.minsi %max3A_39, %min3A_41 : vector<16xi32>
    %shift_right_arithmetic3A_43 = arith.constant 3 : i32
    %shift_right_arithmetic3A_44 = vector.broadcast %shift_right_arithmetic3A_43 : i32 to vector<16xi32>
    %shift_right_arithmetic3A_45 = arith.shrsi %min3A_42, %shift_right_arithmetic3A_44 : vector<16xi32>
    %swap3A_46 = arith.constant 48 : index
    %swap3A_47 = tpu.vector_load %arg6[%swap3A_46] {strides = array<i32>} : memref<64xi32, #tpu.memory_space<vmem>>, vector<16xi32>,
    tpu.vector_store %arg6[%swap3A_46], %shift_right_arithmetic3A_45 {strides = array<i32>} : memref<64xi32, #tpu.memory_space<vmem>>, vector<16xi32>,
    %shift_right_arithmetic3A_48 = arith.constant 7 : i32
    %shift_right_arithmetic3A_49 = arith.shrsi %mul3A_0, %shift_right_arithmetic3A_48 : i32
    %shift_left3A = arith.constant 7 : i32
    %shift_left3A_50 = arith.shli %shift_right_arithmetic3A_49, %shift_left3A : i32
    %multiple_of3A = tpu.assume_multiple %shift_left3A_50, 128 : i32
    %dma_start3A = tpu.memref_reshape %arg2 : memref<100000x1024xf32, #tpu.memory_space<hbm>> -> memref<12500x8x1024xf32, #tpu.memory_space<hbm>>
    %dma_start3A_51 = arith.constant 0 : i32
    %dma_start3A_52 = arith.constant 0 : i32
    %dma_start3A_53 = tpu.memref_slice %dma_start3A[%dma_start3A_51, %dma_start3A_52, %multiple_of3A] : memref<12500x8x1024xf32, #tpu.memory_space<hbm>> -> memref<12500x8x128xf32, #tpu.memory_space<hbm>>
    tpu.enqueue_indirect_dma source(%dma_start3A_53 : memref<12500x8x128xf32, #tpu.memory_space<hbm>>) target(%arg7 : memref<64x8x128xf32, #tpu.memory_space<vmem>>) offsets(%arg6 : memref<64xi32, #tpu.memory_space<vmem>>) semaphore(%arg13 : memref<!tpu.dma_semaphore, #tpu.memory_space<semaphore_mem>>)
    %dma_wait3A = tpu.memref_reshape %arg2 : memref<100000x1024xf32, #tpu.memory_space<hbm>> -> memref<12500x8x1024xf32, #tpu.memory_space<hbm>>
    %dma_wait3A_54 = arith.constant 0 : i32
    %dma_wait3A_55 = arith.constant 0 : i32
    %dma_wait3A_56 = tpu.memref_slice %dma_wait3A[%dma_wait3A_54, %dma_wait3A_55, %multiple_of3A] : memref<12500x8x1024xf32, #tpu.memory_space<hbm>> -> memref<12500x8x128xf32, #tpu.memory_space<hbm>>
    tpu.wait_indirect_dma semaphore(%arg13 : memref<!tpu.dma_semaphore, #tpu.memory_space<semaphore_mem>>) src(%dma_wait3A_56 : memref<12500x8x128xf32, #tpu.memory_space<hbm>>) dst(%arg7 : memref<64x8x128xf32, #tpu.memory_space<vmem>>)
    %broadcast_in_dim3A = arith.constant 0.000000e+00 : f32
    %broadcast_in_dim3A_57 = vector.broadcast %broadcast_in_dim3A : f32 to vector<16xf32>
    %broadcast_in_dim3A_58 = arith.constant 0.000000e+00 : f32
    %broadcast_in_dim3A_59 = vector.broadcast %broadcast_in_dim3A_58 : f32 to vector<16xf32>
    %get3A_60 = arith.constant 0 : index
    %get3A_61 = tpu.vector_load %arg5[%get3A_60] {strides = array<i32>} : memref<64xi32, #tpu.memory_space<vmem>>, vector<16xi32>,
    %ne3A = arith.constant -100 : i32
    %ne3A_62 = vector.broadcast %ne3A : i32 to vector<16xi32>
    %ne3A_63 = arith.cmpi ne, %get3A_61, %ne3A_62 : vector<16xi32>
    %max3A_64 = arith.constant 0 : i32
    %max3A_65 = vector.broadcast %max3A_64 : i32 to vector<16xi32>
    %max3A_66 = arith.maxsi %get3A_61, %max3A_65 : vector<16xi32>
    %min3A_67 = arith.constant 99999 : i32
    %min3A_68 = vector.broadcast %min3A_67 : i32 to vector<16xi32>
    %min3A_69 = arith.minsi %max3A_66, %min3A_68 : vector<16xi32>
    %add3A = arith.constant 0 : i32
    %add3A_70 = vector.broadcast %add3A : i32 to vector<16xi32>
    %add3A_71 = arith.addi %add3A_70, %iota3A : vector<16xi32>
    %add3A_72 = vector.broadcast %mul3A_0 : i32 to vector<16xi32>
    %add3A_73 = arith.addi %add3A_72, %add3A_71 : vector<16xi32>
    %and3A = arith.constant 127 : i32
    %and3A_74 = vector.broadcast %and3A : i32 to vector<16xi32>
    %and3A_75 = arith.andi %add3A_73, %and3A_74 : vector<16xi32>
    %and3A_76 = arith.constant 7 : i32
    %and3A_77 = vector.broadcast %and3A_76 : i32 to vector<16xi32>
    %and3A_78 = arith.andi %min3A_69, %and3A_77 : vector<16xi32>
    %gather3A = tpu.vector_load_idx %arg7[%add3A_71, %and3A_78, %and3A_75] : memref<64x8x128xf32, #tpu.memory_space<vmem>>[vector<16xi32>, vector<16xi32>, vector<16xi32>], vector<16xf32>,
    %neg3A = arith.constant 0.000000e+00 : f32
    %neg3A_79 = vector.broadcast %neg3A : f32 to vector<16xf32>
    %neg3A_80 = arith.subf %neg3A_79, %gather3A : vector<16xf32>
    %jit3A = arith.constant 0.000000e+00 : f32
    %broadcast_in_dim3A_81 = vector.broadcast %jit3A : f32 to vector<16xf32>
    %select_n3A = arith.select %ne3A_63, %neg3A_80, %broadcast_in_dim3A_81 : vector<16xi1>, vector<16xf32>
    %add3A_82 = arith.addf %broadcast_in_dim3A_57, %select_n3A : vector<16xf32>
    %jit3A_83 = arith.constant 1.000000e+00 : f32
    %jit3A_84 = arith.constant 0.000000e+00 : f32
    %broadcast_in_dim3A_85 = vector.broadcast %jit3A_83 : f32 to vector<16xf32>
    %broadcast_in_dim3A_86 = vector.broadcast %jit3A_84 : f32 to vector<16xf32>
    %select_n3A_87 = arith.select %ne3A_63, %broadcast_in_dim3A_85, %broadcast_in_dim3A_86 : vector<16xi1>, vector<16xf32>
    %add3A_88 = arith.addf %broadcast_in_dim3A_59, %select_n3A_87 : vector<16xf32>
    %get3A_89 = arith.constant 16 : index
    %get3A_90 = tpu.vector_load %arg5[%get3A_89] {strides = array<i32>} : memref<64xi32, #tpu.memory_space<vmem>>, vector<16xi32>,
    %ne3A_91 = arith.constant -100 : i32
    %ne3A_92 = vector.broadcast %ne3A_91 : i32 to vector<16xi32>
    %ne3A_93 = arith.cmpi ne, %get3A_90, %ne3A_92 : vector<16xi32>
    %max3A_94 = arith.constant 0 : i32
    %max3A_95 = vector.broadcast %max3A_94 : i32 to vector<16xi32>
    %max3A_96 = arith.maxsi %get3A_90, %max3A_95 : vector<16xi32>
    %min3A_97 = arith.constant 99999 : i32
    %min3A_98 = vector.broadcast %min3A_97 : i32 to vector<16xi32>
    %min3A_99 = arith.minsi %max3A_96, %min3A_98 : vector<16xi32>
    %add3A_100 = arith.constant 16 : i32
    %add3A_101 = vector.broadcast %add3A_100 : i32 to vector<16xi32>
    %add3A_102 = arith.addi %add3A_101, %iota3A : vector<16xi32>
    %add3A_103 = vector.broadcast %mul3A_0 : i32 to vector<16xi32>
    %add3A_104 = arith.addi %add3A_103, %add3A_102 : vector<16xi32>
    %and3A_105 = arith.constant 127 : i32
    %and3A_106 = vector.broadcast %and3A_105 : i32 to vector<16xi32>
    %and3A_107 = arith.andi %add3A_104, %and3A_106 : vector<16xi32>
    %and3A_108 = arith.constant 7 : i32
    %and3A_109 = vector.broadcast %and3A_108 : i32 to vector<16xi32>
    %and3A_110 = arith.andi %min3A_99, %and3A_109 : vector<16xi32>
    %gather3A_111 = tpu.vector_load_idx %arg7[%add3A_102, %and3A_110, %and3A_107] : memref<64x8x128xf32, #tpu.memory_space<vmem>>[vector<16xi32>, vector<16xi32>, vector<16xi32>], vector<16xf32>,
    %neg3A_112 = arith.constant 0.000000e+00 : f32
    %neg3A_113 = vector.broadcast %neg3A_112 : f32 to vector<16xf32>
    %neg3A_114 = arith.subf %neg3A_113, %gather3A_111 : vector<16xf32>
    %jit3A_115 = arith.constant 0.000000e+00 : f32
    %broadcast_in_dim3A_116 = vector.broadcast %jit3A_115 : f32 to vector<16xf32>
    %select_n3A_117 = arith.select %ne3A_93, %neg3A_114, %broadcast_in_dim3A_116 : vector<16xi1>, vector<16xf32>
    %add3A_118 = arith.addf %add3A_82, %select_n3A_117 : vector<16xf32>
    %jit3A_119 = arith.constant 1.000000e+00 : f32
    %jit3A_120 = arith.constant 0.000000e+00 : f32
    %broadcast_in_dim3A_121 = vector.broadcast %jit3A_119 : f32 to vector<16xf32>
    %broadcast_in_dim3A_122 = vector.broadcast %jit3A_120 : f32 to vector<16xf32>
    %select_n3A_123 = arith.select %ne3A_93, %broadcast_in_dim3A_121, %broadcast_in_dim3A_122 : vector<16xi1>, vector<16xf32>
    %add3A_124 = arith.addf %add3A_88, %select_n3A_123 : vector<16xf32>
    %get3A_125 = arith.constant 32 : index
    %get3A_126 = tpu.vector_load %arg5[%get3A_125] {strides = array<i32>} : memref<64xi32, #tpu.memory_space<vmem>>, vector<16xi32>,
    %ne3A_127 = arith.constant -100 : i32
    %ne3A_128 = vector.broadcast %ne3A_127 : i32 to vector<16xi32>
    %ne3A_129 = arith.cmpi ne, %get3A_126, %ne3A_128 : vector<16xi32>
    %max3A_130 = arith.constant 0 : i32
    %max3A_131 = vector.broadcast %max3A_130 : i32 to vector<16xi32>
    %max3A_132 = arith.maxsi %get3A_126, %max3A_131 : vector<16xi32>
    %min3A_133 = arith.constant 99999 : i32
    %min3A_134 = vector.broadcast %min3A_133 : i32 to vector<16xi32>
    %min3A_135 = arith.minsi %max3A_132, %min3A_134 : vector<16xi32>
    %add3A_136 = arith.constant 32 : i32
    %add3A_137 = vector.broadcast %add3A_136 : i32 to vector<16xi32>
    %add3A_138 = arith.addi %add3A_137, %iota3A : vector<16xi32>
    %add3A_139 = vector.broadcast %mul3A_0 : i32 to vector<16xi32>
    %add3A_140 = arith.addi %add3A_139, %add3A_138 : vector<16xi32>
    %and3A_141 = arith.constant 127 : i32
    %and3A_142 = vector.broadcast %and3A_141 : i32 to vector<16xi32>
    %and3A_143 = arith.andi %add3A_140, %and3A_142 : vector<16xi32>
    %and3A_144 = arith.constant 7 : i32
    %and3A_145 = vector.broadcast %and3A_144 : i32 to vector<16xi32>
    %and3A_146 = arith.andi %min3A_135, %and3A_145 : vector<16xi32>
    %gather3A_147 = tpu.vector_load_idx %arg7[%add3A_138, %and3A_146, %and3A_143] : memref<64x8x128xf32, #tpu.memory_space<vmem>>[vector<16xi32>, vector<16xi32>, vector<16xi32>], vector<16xf32>,
    %neg3A_148 = arith.constant 0.000000e+00 : f32
    %neg3A_149 = vector.broadcast %neg3A_148 : f32 to vector<16xf32>
    %neg3A_150 = arith.subf %neg3A_149, %gather3A_147 : vector<16xf32>
    %jit3A_151 = arith.constant 0.000000e+00 : f32
    %broadcast_in_dim3A_152 = vector.broadcast %jit3A_151 : f32 to vector<16xf32>
    %select_n3A_153 = arith.select %ne3A_129, %neg3A_150, %broadcast_in_dim3A_152 : vector<16xi1>, vector<16xf32>
    %add3A_154 = arith.addf %add3A_118, %select_n3A_153 : vector<16xf32>
    %jit3A_155 = arith.constant 1.000000e+00 : f32
    %jit3A_156 = arith.constant 0.000000e+00 : f32
    %broadcast_in_dim3A_157 = vector.broadcast %jit3A_155 : f32 to vector<16xf32>
    %broadcast_in_dim3A_158 = vector.broadcast %jit3A_156 : f32 to vector<16xf32>
    %select_n3A_159 = arith.select %ne3A_129, %broadcast_in_dim3A_157, %broadcast_in_dim3A_158 : vector<16xi1>, vector<16xf32>
    %add3A_160 = arith.addf %add3A_124, %select_n3A_159 : vector<16xf32>
    %get3A_161 = arith.constant 48 : index
    %get3A_162 = tpu.vector_load %arg5[%get3A_161] {strides = array<i32>} : memref<64xi32, #tpu.memory_space<vmem>>, vector<16xi32>,
    %ne3A_163 = arith.constant -100 : i32
    %ne3A_164 = vector.broadcast %ne3A_163 : i32 to vector<16xi32>
    %ne3A_165 = arith.cmpi ne, %get3A_162, %ne3A_164 : vector<16xi32>
    %max3A_166 = arith.constant 0 : i32
    %max3A_167 = vector.broadcast %max3A_166 : i32 to vector<16xi32>
    %max3A_168 = arith.maxsi %get3A_162, %max3A_167 : vector<16xi32>
    %min3A_169 = arith.constant 99999 : i32
    %min3A_170 = vector.broadcast %min3A_169 : i32 to vector<16xi32>
    %min3A_171 = arith.minsi %max3A_168, %min3A_170 : vector<16xi32>
    %add3A_172 = arith.constant 48 : i32
    %add3A_173 = vector.broadcast %add3A_172 : i32 to vector<16xi32>
    %add3A_174 = arith.addi %add3A_173, %iota3A : vector<16xi32>
    %add3A_175 = vector.broadcast %mul3A_0 : i32 to vector<16xi32>
    %add3A_176 = arith.addi %add3A_175, %add3A_174 : vector<16xi32>
    %and3A_177 = arith.constant 127 : i32
    %and3A_178 = vector.broadcast %and3A_177 : i32 to vector<16xi32>
    %and3A_179 = arith.andi %add3A_176, %and3A_178 : vector<16xi32>
    %and3A_180 = arith.constant 7 : i32
    %and3A_181 = vector.broadcast %and3A_180 : i32 to vector<16xi32>
    %and3A_182 = arith.andi %min3A_171, %and3A_181 : vector<16xi32>
    %gather3A_183 = tpu.vector_load_idx %arg7[%add3A_174, %and3A_182, %and3A_179] : memref<64x8x128xf32, #tpu.memory_space<vmem>>[vector<16xi32>, vector<16xi32>, vector<16xi32>], vector<16xf32>,
    %neg3A_184 = arith.constant 0.000000e+00 : f32
    %neg3A_185 = vector.broadcast %neg3A_184 : f32 to vector<16xf32>
    %neg3A_186 = arith.subf %neg3A_185, %gather3A_183 : vector<16xf32>
    %jit3A_187 = arith.constant 0.000000e+00 : f32
    %broadcast_in_dim3A_188 = vector.broadcast %jit3A_187 : f32 to vector<16xf32>
    %select_n3A_189 = arith.select %ne3A_165, %neg3A_186, %broadcast_in_dim3A_188 : vector<16xi1>, vector<16xf32>
    %add3A_190 = arith.addf %add3A_154, %select_n3A_189 : vector<16xf32>
    %jit3A_191 = arith.constant 1.000000e+00 : f32
    %jit3A_192 = arith.constant 0.000000e+00 : f32
    %broadcast_in_dim3A_193 = vector.broadcast %jit3A_191 : f32 to vector<16xf32>
    %broadcast_in_dim3A_194 = vector.broadcast %jit3A_192 : f32 to vector<16xf32>
    %select_n3A_195 = arith.select %ne3A_165, %broadcast_in_dim3A_193, %broadcast_in_dim3A_194 : vector<16xi1>, vector<16xf32>
    %add3A_196 = arith.addf %add3A_160, %select_n3A_195 : vector<16xf32>
    %swap3A_197 = arith.constant 0 : index
    %swap3A_198 = tpu.vector_load %arg8[%swap3A_197] {strides = array<i32>} : memref<32xf32, #tpu.memory_space<vmem>>, vector<16xf32>,
    tpu.vector_store %arg8[%swap3A_197], %add3A_190 {strides = array<i32>} : memref<32xf32, #tpu.memory_space<vmem>>, vector<16xf32>,
    %swap3A_199 = arith.constant 16 : index
    %swap3A_200 = tpu.vector_load %arg8[%swap3A_199] {strides = array<i32>} : memref<32xf32, #tpu.memory_space<vmem>>, vector<16xf32>,
    tpu.vector_store %arg8[%swap3A_199], %add3A_196 {strides = array<i32>} : memref<32xf32, #tpu.memory_space<vmem>>, vector<16xf32>,
    %mul3A_201 = arith.constant 2 : i32
    %mul3A_202 = arith.muli %arg1, %mul3A_201 : i32
    %mul3A_203 = arith.constant 16 : i32
    %mul3A_204 = arith.muli %mul3A_202, %mul3A_203 : i32
    "tpu.region"() ({
      %run_scoped3A = tpu.sem_alloc : memref<!tpu.dma_semaphore, #tpu.memory_space<semaphore_mem>>
      %dma_start3A_367 = tpu.memref_slice %arg9[%mul3A_204] : memref<512xf32, #tpu.memory_space<vmem_shared>> -> memref<32xf32, #tpu.memory_space<vmem_shared>>
      %dma_start3A_368 = tpu.memref_slice %arg9[%mul3A_204] : memref<512xf32, #tpu.memory_space<vmem_shared>> -> memref<32xf32, #tpu.memory_space<vmem_shared>>
      tpu.enqueue_dma source(%arg8 : memref<32xf32, #tpu.memory_space<vmem>>) target(%dma_start3A_368 : memref<32xf32, #tpu.memory_space<vmem_shared>>) target_semaphore(%run_scoped3A : memref<!tpu.dma_semaphore, #tpu.memory_space<semaphore_mem>>)
      %dma_wait3A_369 = tpu.memref_slice %arg9[%mul3A_204] : memref<512xf32, #tpu.memory_space<vmem_shared>> -> memref<32xf32, #tpu.memory_space<vmem_shared>>
      %dma_wait3A_370 = tpu.memref_slice %arg9[%mul3A_204] : memref<512xf32, #tpu.memory_space<vmem_shared>> -> memref<32xf32, #tpu.memory_space<vmem_shared>>
      tpu.wait_dma2 semaphore(%run_scoped3A : memref<!tpu.dma_semaphore, #tpu.memory_space<semaphore_mem>>) src(%arg8 : memref<32xf32, #tpu.memory_space<vmem>>) dst(%dma_wait3A_370 : memref<32xf32, #tpu.memory_space<vmem_shared>>)
      tpu.yield
    }) : () -> ()
    %barrier3A = arith.constant 0 : index
    tpu.barrier barrier_id(%barrier3A)
    "tpu.region"() ({
      %run_scoped3A = tpu.sem_alloc : memref<!tpu.dma_semaphore, #tpu.memory_space<semaphore_mem>>
      tpu.enqueue_dma source(%arg9 : memref<512xf32, #tpu.memory_space<vmem_shared>>) target(%arg10 : memref<512xf32, #tpu.memory_space<vmem>>) target_semaphore(%run_scoped3A : memref<!tpu.dma_semaphore, #tpu.memory_space<semaphore_mem>>)
      tpu.wait_dma2 semaphore(%run_scoped3A : memref<!tpu.dma_semaphore, #tpu.memory_space<semaphore_mem>>) src(%arg9 : memref<512xf32, #tpu.memory_space<vmem_shared>>) dst(%arg10 : memref<512xf32, #tpu.memory_space<vmem>>)
      tpu.yield
    }) : () -> ()
    %broadcast_in_dim3A_205 = arith.constant 0.000000e+00 : f32
    %broadcast_in_dim3A_206 = vector.broadcast %broadcast_in_dim3A_205 : f32 to vector<16xf32>
    %broadcast_in_dim3A_207 = arith.constant 0.000000e+00 : f32
    %broadcast_in_dim3A_208 = vector.broadcast %broadcast_in_dim3A_207 : f32 to vector<16xf32>
    %get3A_209 = arith.constant 0 : index
    %get3A_210 = tpu.vector_load %arg10[%get3A_209] {strides = array<i32>} : memref<512xf32, #tpu.memory_space<vmem>>, vector<16xf32>,
    %add3A_211 = arith.addf %broadcast_in_dim3A_206, %get3A_210 : vector<16xf32>
    %get3A_212 = arith.constant 16 : index
    %get3A_213 = tpu.vector_load %arg10[%get3A_212] {strides = array<i32>} : memref<512xf32, #tpu.memory_space<vmem>>, vector<16xf32>,
    %add3A_214 = arith.addf %broadcast_in_dim3A_208, %get3A_213 : vector<16xf32>
    %get3A_215 = arith.constant 32 : index
    %get3A_216 = tpu.vector_load %arg10[%get3A_215] {strides = array<i32>} : memref<512xf32, #tpu.memory_space<vmem>>, vector<16xf32>,
    %add3A_217 = arith.addf %add3A_211, %get3A_216 : vector<16xf32>
    %get3A_218 = arith.constant 48 : index
    %get3A_219 = tpu.vector_load %arg10[%get3A_218] {strides = array<i32>} : memref<512xf32, #tpu.memory_space<vmem>>, vector<16xf32>,
    %add3A_220 = arith.addf %add3A_214, %get3A_219 : vector<16xf32>
    %get3A_221 = arith.constant 64 : index
    %get3A_222 = tpu.vector_load %arg10[%get3A_221] {strides = array<i32>} : memref<512xf32, #tpu.memory_space<vmem>>, vector<16xf32>,
    %add3A_223 = arith.addf %add3A_217, %get3A_222 : vector<16xf32>
    %get3A_224 = arith.constant 80 : index
    %get3A_225 = tpu.vector_load %arg10[%get3A_224] {strides = array<i32>} : memref<512xf32, #tpu.memory_space<vmem>>, vector<16xf32>,
    %add3A_226 = arith.addf %add3A_220, %get3A_225 : vector<16xf32>
    %get3A_227 = arith.constant 96 : index
    %get3A_228 = tpu.vector_load %arg10[%get3A_227] {strides = array<i32>} : memref<512xf32, #tpu.memory_space<vmem>>, vector<16xf32>,
    %add3A_229 = arith.addf %add3A_223, %get3A_228 : vector<16xf32>
    %get3A_230 = arith.constant 112 : index
    %get3A_231 = tpu.vector_load %arg10[%get3A_230] {strides = array<i32>} : memref<512xf32, #tpu.memory_space<vmem>>, vector<16xf32>,
    %add3A_232 = arith.addf %add3A_226, %get3A_231 : vector<16xf32>
    %get3A_233 = arith.constant 128 : index
    %get3A_234 = tpu.vector_load %arg10[%get3A_233] {strides = array<i32>} : memref<512xf32, #tpu.memory_space<vmem>>, vector<16xf32>,
    %add3A_235 = arith.addf %add3A_229, %get3A_234 : vector<16xf32>
    %get3A_236 = arith.constant 144 : index
    %get3A_237 = tpu.vector_load %arg10[%get3A_236] {strides = array<i32>} : memref<512xf32, #tpu.memory_space<vmem>>, vector<16xf32>,
    %add3A_238 = arith.addf %add3A_232, %get3A_237 : vector<16xf32>
    %get3A_239 = arith.constant 160 : index
    %get3A_240 = tpu.vector_load %arg10[%get3A_239] {strides = array<i32>} : memref<512xf32, #tpu.memory_space<vmem>>, vector<16xf32>,
    %add3A_241 = arith.addf %add3A_235, %get3A_240 : vector<16xf32>
    %get3A_242 = arith.constant 176 : index
    %get3A_243 = tpu.vector_load %arg10[%get3A_242] {strides = array<i32>} : memref<512xf32, #tpu.memory_space<vmem>>, vector<16xf32>,
    %add3A_244 = arith.addf %add3A_238, %get3A_243 : vector<16xf32>
    %get3A_245 = arith.constant 192 : index
    %get3A_246 = tpu.vector_load %arg10[%get3A_245] {strides = array<i32>} : memref<512xf32, #tpu.memory_space<vmem>>, vector<16xf32>,
    %add3A_247 = arith.addf %add3A_241, %get3A_246 : vector<16xf32>
    %get3A_248 = arith.constant 208 : index
    %get3A_249 = tpu.vector_load %arg10[%get3A_248] {strides = array<i32>} : memref<512xf32, #tpu.memory_space<vmem>>, vector<16xf32>,
    %add3A_250 = arith.addf %add3A_244, %get3A_249 : vector<16xf32>
    %get3A_251 = arith.constant 224 : index
    %get3A_252 = tpu.vector_load %arg10[%get3A_251] {strides = array<i32>} : memref<512xf32, #tpu.memory_space<vmem>>, vector<16xf32>,
    %add3A_253 = arith.addf %add3A_247, %get3A_252 : vector<16xf32>
    %get3A_254 = arith.constant 240 : index
    %get3A_255 = tpu.vector_load %arg10[%get3A_254] {strides = array<i32>} : memref<512xf32, #tpu.memory_space<vmem>>, vector<16xf32>,
    %add3A_256 = arith.addf %add3A_250, %get3A_255 : vector<16xf32>
    %get3A_257 = arith.constant 256 : index
    %get3A_258 = tpu.vector_load %arg10[%get3A_257] {strides = array<i32>} : memref<512xf32, #tpu.memory_space<vmem>>, vector<16xf32>,
    %add3A_259 = arith.addf %add3A_253, %get3A_258 : vector<16xf32>
    %get3A_260 = arith.constant 272 : index
    %get3A_261 = tpu.vector_load %arg10[%get3A_260] {strides = array<i32>} : memref<512xf32, #tpu.memory_space<vmem>>, vector<16xf32>,
    %add3A_262 = arith.addf %add3A_256, %get3A_261 : vector<16xf32>
    %get3A_263 = arith.constant 288 : index
    %get3A_264 = tpu.vector_load %arg10[%get3A_263] {strides = array<i32>} : memref<512xf32, #tpu.memory_space<vmem>>, vector<16xf32>,
    %add3A_265 = arith.addf %add3A_259, %get3A_264 : vector<16xf32>
    %get3A_266 = arith.constant 304 : index
    %get3A_267 = tpu.vector_load %arg10[%get3A_266] {strides = array<i32>} : memref<512xf32, #tpu.memory_space<vmem>>, vector<16xf32>,
    %add3A_268 = arith.addf %add3A_262, %get3A_267 : vector<16xf32>
    %get3A_269 = arith.constant 320 : index
    %get3A_270 = tpu.vector_load %arg10[%get3A_269] {strides = array<i32>} : memref<512xf32, #tpu.memory_space<vmem>>, vector<16xf32>,
    %add3A_271 = arith.addf %add3A_265, %get3A_270 : vector<16xf32>
    %get3A_272 = arith.constant 336 : index
    %get3A_273 = tpu.vector_load %arg10[%get3A_272] {strides = array<i32>} : memref<512xf32, #tpu.memory_space<vmem>>, vector<16xf32>,
    %add3A_274 = arith.addf %add3A_268, %get3A_273 : vector<16xf32>
    %get3A_275 = arith.constant 352 : index
    %get3A_276 = tpu.vector_load %arg10[%get3A_275] {strides = array<i32>} : memref<512xf32, #tpu.memory_space<vmem>>, vector<16xf32>,
    %add3A_277 = arith.addf %add3A_271, %get3A_276 : vector<16xf32>
    %get3A_278 = arith.constant 368 : index
    %get3A_279 = tpu.vector_load %arg10[%get3A_278] {strides = array<i32>} : memref<512xf32, #tpu.memory_space<vmem>>, vector<16xf32>,
    %add3A_280 = arith.addf %add3A_274, %get3A_279 : vector<16xf32>
    %get3A_281 = arith.constant 384 : index
    %get3A_282 = tpu.vector_load %arg10[%get3A_281] {strides = array<i32>} : memref<512xf32, #tpu.memory_space<vmem>>, vector<16xf32>,
    %add3A_283 = arith.addf %add3A_277, %get3A_282 : vector<16xf32>
    %get3A_284 = arith.constant 400 : index
    %get3A_285 = tpu.vector_load %arg10[%get3A_284] {strides = array<i32>} : memref<512xf32, #tpu.memory_space<vmem>>, vector<16xf32>,
    %add3A_286 = arith.addf %add3A_280, %get3A_285 : vector<16xf32>
    %get3A_287 = arith.constant 416 : index
    %get3A_288 = tpu.vector_load %arg10[%get3A_287] {strides = array<i32>} : memref<512xf32, #tpu.memory_space<vmem>>, vector<16xf32>,
    %add3A_289 = arith.addf %add3A_283, %get3A_288 : vector<16xf32>
    %get3A_290 = arith.constant 432 : index
    %get3A_291 = tpu.vector_load %arg10[%get3A_290] {strides = array<i32>} : memref<512xf32, #tpu.memory_space<vmem>>, vector<16xf32>,
    %add3A_292 = arith.addf %add3A_286, %get3A_291 : vector<16xf32>
    %get3A_293 = arith.constant 448 : index
    %get3A_294 = tpu.vector_load %arg10[%get3A_293] {strides = array<i32>} : memref<512xf32, #tpu.memory_space<vmem>>, vector<16xf32>,
    %add3A_295 = arith.addf %add3A_289, %get3A_294 : vector<16xf32>
    %get3A_296 = arith.constant 464 : index
    %get3A_297 = tpu.vector_load %arg10[%get3A_296] {strides = array<i32>} : memref<512xf32, #tpu.memory_space<vmem>>, vector<16xf32>,
    %add3A_298 = arith.addf %add3A_292, %get3A_297 : vector<16xf32>
    %get3A_299 = arith.constant 480 : index
    %get3A_300 = tpu.vector_load %arg10[%get3A_299] {strides = array<i32>} : memref<512xf32, #tpu.memory_space<vmem>>, vector<16xf32>,
    %add3A_301 = arith.addf %add3A_295, %get3A_300 : vector<16xf32>
    %get3A_302 = arith.constant 496 : index
    %get3A_303 = tpu.vector_load %arg10[%get3A_302] {strides = array<i32>} : memref<512xf32, #tpu.memory_space<vmem>>, vector<16xf32>,
    %add3A_304 = arith.addf %add3A_298, %get3A_303 : vector<16xf32>
    %swap3A_305 = arith.constant 0 : index
    %swap3A_306 = tpu.vector_load %arg12[%swap3A_305] {strides = array<i32>} : memref<16xf32, #tpu.memory_space<vmem>>, vector<16xf32>,
    tpu.vector_store %arg12[%swap3A_305], %add3A_301 {strides = array<i32>} : memref<16xf32, #tpu.memory_space<vmem>>, vector<16xf32>,
    %xor3A = arith.constant 8 : i32
    %xor3A_307 = vector.broadcast %xor3A : i32 to vector<16xi32>
    %xor3A_308 = arith.xori %iota3A, %xor3A_307 : vector<16xi32>
    %gather3A_309 = tpu.vector_load_idx %arg12[%xor3A_308] : memref<16xf32, #tpu.memory_space<vmem>>[vector<16xi32>], vector<16xf32>,
    %add3A_310 = arith.addf %add3A_301, %gather3A_309 : vector<16xf32>
    %swap3A_311 = arith.constant 0 : index
    %swap3A_312 = tpu.vector_load %arg12[%swap3A_311] {strides = array<i32>} : memref<16xf32, #tpu.memory_space<vmem>>, vector<16xf32>,
    tpu.vector_store %arg12[%swap3A_311], %add3A_310 {strides = array<i32>} : memref<16xf32, #tpu.memory_space<vmem>>, vector<16xf32>,
    %xor3A_313 = arith.constant 4 : i32
    %xor3A_314 = vector.broadcast %xor3A_313 : i32 to vector<16xi32>
    %xor3A_315 = arith.xori %iota3A, %xor3A_314 : vector<16xi32>
    %gather3A_316 = tpu.vector_load_idx %arg12[%xor3A_315] : memref<16xf32, #tpu.memory_space<vmem>>[vector<16xi32>], vector<16xf32>,
    %add3A_317 = arith.addf %add3A_310, %gather3A_316 : vector<16xf32>
    %swap3A_318 = arith.constant 0 : index
    %swap3A_319 = tpu.vector_load %arg12[%swap3A_318] {strides = array<i32>} : memref<16xf32, #tpu.memory_space<vmem>>, vector<16xf32>,
    tpu.vector_store %arg12[%swap3A_318], %add3A_317 {strides = array<i32>} : memref<16xf32, #tpu.memory_space<vmem>>, vector<16xf32>,
    %xor3A_320 = arith.constant 2 : i32
    %xor3A_321 = vector.broadcast %xor3A_320 : i32 to vector<16xi32>
    %xor3A_322 = arith.xori %iota3A, %xor3A_321 : vector<16xi32>
    %gather3A_323 = tpu.vector_load_idx %arg12[%xor3A_322] : memref<16xf32, #tpu.memory_space<vmem>>[vector<16xi32>], vector<16xf32>,
    %add3A_324 = arith.addf %add3A_317, %gather3A_323 : vector<16xf32>
    %swap3A_325 = arith.constant 0 : index
    %swap3A_326 = tpu.vector_load %arg12[%swap3A_325] {strides = array<i32>} : memref<16xf32, #tpu.memory_space<vmem>>, vector<16xf32>,
    tpu.vector_store %arg12[%swap3A_325], %add3A_324 {strides = array<i32>} : memref<16xf32, #tpu.memory_space<vmem>>, vector<16xf32>,
    %xor3A_327 = arith.constant 1 : i32
    %xor3A_328 = vector.broadcast %xor3A_327 : i32 to vector<16xi32>
    %xor3A_329 = arith.xori %iota3A, %xor3A_328 : vector<16xi32>
    %gather3A_330 = tpu.vector_load_idx %arg12[%xor3A_329] : memref<16xf32, #tpu.memory_space<vmem>>[vector<16xi32>], vector<16xf32>,
    %add3A_331 = arith.addf %add3A_324, %gather3A_330 : vector<16xf32>
    %swap3A_332 = arith.constant 0 : index
    %swap3A_333 = tpu.vector_load %arg12[%swap3A_332] {strides = array<i32>} : memref<16xf32, #tpu.memory_space<vmem>>, vector<16xf32>,
    tpu.vector_store %arg12[%swap3A_332], %add3A_304 {strides = array<i32>} : memref<16xf32, #tpu.memory_space<vmem>>, vector<16xf32>,
    %xor3A_334 = arith.constant 8 : i32
    %xor3A_335 = vector.broadcast %xor3A_334 : i32 to vector<16xi32>
    %xor3A_336 = arith.xori %iota3A, %xor3A_335 : vector<16xi32>
    %gather3A_337 = tpu.vector_load_idx %arg12[%xor3A_336] : memref<16xf32, #tpu.memory_space<vmem>>[vector<16xi32>], vector<16xf32>,
    %add3A_338 = arith.addf %add3A_304, %gather3A_337 : vector<16xf32>
    %swap3A_339 = arith.constant 0 : index
    %swap3A_340 = tpu.vector_load %arg12[%swap3A_339] {strides = array<i32>} : memref<16xf32, #tpu.memory_space<vmem>>, vector<16xf32>,
    tpu.vector_store %arg12[%swap3A_339], %add3A_338 {strides = array<i32>} : memref<16xf32, #tpu.memory_space<vmem>>, vector<16xf32>,
    %xor3A_341 = arith.constant 4 : i32
    %xor3A_342 = vector.broadcast %xor3A_341 : i32 to vector<16xi32>
    %xor3A_343 = arith.xori %iota3A, %xor3A_342 : vector<16xi32>
    %gather3A_344 = tpu.vector_load_idx %arg12[%xor3A_343] : memref<16xf32, #tpu.memory_space<vmem>>[vector<16xi32>], vector<16xf32>,
    %add3A_345 = arith.addf %add3A_338, %gather3A_344 : vector<16xf32>
    %swap3A_346 = arith.constant 0 : index
    %swap3A_347 = tpu.vector_load %arg12[%swap3A_346] {strides = array<i32>} : memref<16xf32, #tpu.memory_space<vmem>>, vector<16xf32>,
    tpu.vector_store %arg12[%swap3A_346], %add3A_345 {strides = array<i32>} : memref<16xf32, #tpu.memory_space<vmem>>, vector<16xf32>,
    %xor3A_348 = arith.constant 2 : i32
    %xor3A_349 = vector.broadcast %xor3A_348 : i32 to vector<16xi32>
    %xor3A_350 = arith.xori %iota3A, %xor3A_349 : vector<16xi32>
    %gather3A_351 = tpu.vector_load_idx %arg12[%xor3A_350] : memref<16xf32, #tpu.memory_space<vmem>>[vector<16xi32>], vector<16xf32>,
    %add3A_352 = arith.addf %add3A_345, %gather3A_351 : vector<16xf32>
    %swap3A_353 = arith.constant 0 : index
    %swap3A_354 = tpu.vector_load %arg12[%swap3A_353] {strides = array<i32>} : memref<16xf32, #tpu.memory_space<vmem>>, vector<16xf32>,
    tpu.vector_store %arg12[%swap3A_353], %add3A_352 {strides = array<i32>} : memref<16xf32, #tpu.memory_space<vmem>>, vector<16xf32>,
    %xor3A_355 = arith.constant 1 : i32
    %xor3A_356 = vector.broadcast %xor3A_355 : i32 to vector<16xi32>
    %xor3A_357 = arith.xori %iota3A, %xor3A_356 : vector<16xi32>
    %gather3A_358 = tpu.vector_load_idx %arg12[%xor3A_357] : memref<16xf32, #tpu.memory_space<vmem>>[vector<16xi32>], vector<16xf32>,
    %add3A_359 = arith.addf %add3A_352, %gather3A_358 : vector<16xf32>
    %max3A_360 = arith.constant 1.000000e+00 : f32
    %max3A_361 = vector.broadcast %max3A_360 : f32 to vector<16xf32>
    %max3A_362 = arith.maximumf %add3A_359, %max3A_361 : vector<16xf32>
    %div3A = arith.divf %add3A_331, %max3A_362 : vector<16xf32>
    %swap3A_363 = arith.constant 0 : index
    %swap3A_364 = tpu.vector_load %arg11[%swap3A_363] {strides = array<i32>} : memref<16xf32, #tpu.memory_space<vmem>>, vector<16xf32>,
    tpu.vector_store %arg11[%swap3A_363], %div3A {strides = array<i32>} : memref<16xf32, #tpu.memory_space<vmem>>, vector<16xf32>,
    %eq3A = arith.constant 0 : i32
    %eq3A_365 = arith.cmpi eq, %arg1, %eq3A : i32
    %convert_element_type3A = arith.extui %eq3A_365 : i1 to i32
    %cond3A = arith.constant 0 : i32
    %cond3A_366 = arith.cmpi ne, %convert_element_type3A, %cond3A : i32
    scf.if %cond3A_366 {
      "tpu.region"() ({
        %run_scoped3A = tpu.sem_alloc : memref<!tpu.dma_semaphore, #tpu.memory_space<semaphore_mem>>
        tpu.enqueue_dma source(%arg11 : memref<16xf32, #tpu.memory_space<vmem>>) target(%arg4 : memref<16xf32, #tpu.memory_space<hbm>>) target_semaphore(%run_scoped3A : memref<!tpu.dma_semaphore, #tpu.memory_space<semaphore_mem>>)
        tpu.wait_dma2 semaphore(%run_scoped3A : memref<!tpu.dma_semaphore, #tpu.memory_space<semaphore_mem>>) src(%arg11 : memref<16xf32, #tpu.memory_space<vmem>>) dst(%arg4 : memref<16xf32, #tpu.memory_space<hbm>>)
        tpu.yield
      }) : () -> ()
    } else {
    }
    return
  }
}

</mosaic_0001>

<sc_bundles>
// kernel: kernel.3.cloned.1.call-start
scs
__scs_entry_jumppad:
0x0: {  	(pc) =	sbr.rel $0x88, $3  }
0x1: {  	(tag) =	ssettag $0x0;
	lr =	simm.s32 $0x1  }
0x2: {  	[smem:$0x3F9F] =	sst lr;
	_ =	strace $0xD0000000  }
0x3: {  	_ = 	snop  }
0x4: {  	_ = 	snop  }
0x5: {  	_ = 	snop  }
0x6: {  	_ = 	snop  }
0x7: {  	_ = 	snop  }
__scs_overlays_trampoline_lowered:
0x8: {  	[smem:$0x3FAE] =	sst s0  }
0x9: {  	[smem:$0x3FAF] =	sst s1  }
0xa: {  	[smem:$0x3FB0] =	sst s2  }
0xb: {  	[smem:$0x3FB1] =	sst s3  }
0xc: {  	[smem:$0x3FB2] =	sst s4  }
0xd: {  	[smem:$0x3FB3] =	sst s5  }
0xe: {  	[smem:$0x3FB4] =	sst s6  }
0xf: {  	[smem:$0x3FB5] =	sst s7  }
0x10: {  	[smem:$0x3FB6] =	sst s8  }
0x11: {  	[smem:$0x3FB7] =	sst s9;
	s0 =	simm.s32 @!p0 $0x0  }
0x12: {  	s1 =	sld [smem:$0x3F9D];
	s0 =	simm.s32 @p0 $0x1  }
0x13: {  	[smem:$0x3FB8] =	sst s0;
	s0 =	simm.s32 @!p1 $0x0  }
0x14: {  	s2 =	sld [smem:$0x3F9C];
	s0 =	simm.s32 @p1 $0x1  }
0x15: {  	[smem:$0x3FB9] =	sst s0;
	s0 =	simm.s32 @!p2 $0x0  }
0x16: {  	s3 =	sld [smem:$0x3FDB];
	s0 =	simm.s32 @p2 $0x1  }
0x17: {  	s4 =	simm.s32 $0x1BF5;
	[smem:$0x3FBB] =	sst s0  }
0x18: {  	s0 =	sld [smem:$0x3F9E];
	_ =	swait.ge [sflag:s4], $0x0  }
0x19: {  	s7 =	sld [smem:$0x3F9F]  }
0x1a: {  	s8 =	sadd.s32 $0xFFFFE003, lr  }
0x1b: {  	s9 =	sadd.s32 $0xFFFFFEF7, lr;
	s5 =	simm.s32 $0xFFFFFFFF;
	p2 =	slt.u32 s8, $0xFFFFF086  }
0x1c: {  	p1 =	slt.u32 s9, $0xF7A;
	s5 =	simm.s32 @!p2 $0x0  }
0x1d: {  	s5 =	simm.s32 @p1 $0x1;
	p0 =	seq.s32 s7, s2  }
0x1e: {  	s7 =	smul.u32 @!p0 $0xF7A, s2;
	p2 =	seq.s32 @!p0 s5, $0x0  }
0x1f: {  	s9 =	smul.u32 $0xF7A, s1;
	s8 =	simm.s32 @!p0 $0x1BF5;
	p2 =	por !p2, p0  }
0x20: {  	[sflag:s8] =	ssyncset.s32 @!p0 $0xFFFFF086;
	s6 =	sadd.s32 @!p0 s3, s7;
	s7 =	simm.s32 @!p0 $0x108  }
0x21: {  	s3 =	sadd.s32 s3, s9;
	s6 =	sadd.s32 @!p0 $0x88, s6;
	s7 =	simm.s32 @p2 $0x1082  }
0x22: {  	[simem:s7], [sflag:s8] =	dma.local @!p0 [hbm:s6], $0xF7A  }
0x23: {  	s9 =	sor.u32 $0xD0000000, s2;
	s6 =	simm.s32 $0x108;
	_ =	swait.ge @!p0 [sflag:s8], $0x0  }
0x24: {  	s3 =	sadd.s32 $0x88, s3;
	s6 =	simm.s32 @!p1 $0x1082;
	[sflag:s4] =	ssyncset.s32 $0xFFFFF086  }
0x25: {  	[simem:s6], [sflag:s4] =	dma.local [hbm:s3], $0xF7A  }
0x26: {  	[smem:$0x3F9F] =	sst s1;
	(tag) =	ssettag s2;
	_ =	strace s9  }
0x27: {  	s1 =	sld [smem:$0x3FAF]  }
0x28: {  	s2 =	sld [smem:$0x3FB0]  }
0x29: {  	s4 =	sld [smem:$0x3FB2]  }
0x2a: {  	p0 =	seq.s32 s5, $0x0;
	s5 =	sld [smem:$0x3FB3]  }
0x2b: {  	s6 =	sld [smem:$0x3FB4]  }
0x2c: {  	s7 =	sld [smem:$0x3FB5]  }
0x2d: {  	s3 =	simm.s32 $0x108;
	s8 =	sld [smem:$0x3FB6]  }
0x2e: {  	s3 =	simm.s32 @!p0 $0x1082;
	s9 =	sld [smem:$0x3FB7]  }
0x2f: {  	lr =	sadd.s32 s0, s3;
	s0 =	sld [smem:$0x3FAE]  }
0x30: {  	s3 =	sld [smem:$0x3FB1]  }
0x31: {  	[smem:$0x3FBA] =	sst s10  }
0x32: {  	s10 =	sld [smem:$0x3FB8];
	_ =	sdelay $0x3  }
0x33: {  	p0 =	seq.s32 s10, $0x1;
	s10 =	sld [smem:$0x3FBA];
	_ =	sdelay $0x3  }
0x34: {  	[smem:$0x3FBA] =	sst s10  }
0x35: {  	s10 =	sld [smem:$0x3FB9];
	_ =	sdelay $0x3  }
0x36: {  	p1 =	seq.s32 s10, $0x1;
	s10 =	sld [smem:$0x3FBA];
	_ =	sdelay $0x3  }
0x37: {  	[smem:$0x3FBA] =	sst s10  }
0x38: {  	s10 =	sld [smem:$0x3FBB]  }
0x39: {  	_ = 	snop;
	(pc) =	sbr.ind lr, $3  }
0x3a: {  	_ = 	snop  }
0x3b: {  	_ = 	snop  }
0x3c: {  	p2 =	seq.s32 s10, $0x1;
	s10 =	sld [smem:$0x3FBA]  }
0x3d: {  	_ =	shalt  }
0x3e: {  	_ =	shalt  }
0x3f: {  	_ =	shalt  }
0x40: {  	_ =	shalt  }
0x41: {  	_ =	shalt  }
0x42: {  	_ =	shalt  }
0x43: {  	_ =	shalt  }
0x44: {  	_ =	shalt  }
0x45: {  	_ =	shalt  }
0x46: {  	_ =	shalt  }
0x47: {  	_ =	shalt  }
0x48: {  	_ =	shalt  }
0x49: {  	_ =	shalt  }
0x4a: {  	_ =	shalt  }
0x4b: {  	_ =	shalt  }
0x4c: {  	_ =	shalt  }
0x4d: {  	_ =	shalt  }
0x4e: {  	_ =	shalt  }
0x4f: {  	_ =	shalt  }
0x50: {  	_ =	shalt  }
0x51: {  	_ =	shalt  }
0x52: {  	_ =	shalt  }
0x53: {  	_ =	shalt  }
0x54: {  	_ =	shalt  }
0x55: {  	_ =	shalt  }
0x56: {  	_ =	shalt  }
0x57: {  	_ =	shalt  }
0x58: {  	_ =	shalt  }
0x59: {  	_ =	shalt  }
0x5a: {  	_ =	shalt  }
0x5b: {  	_ =	shalt  }
0x5c: {  	_ =	shalt  }
0x5d: {  	_ =	shalt  }
0x5e: {  	_ =	shalt  }
0x5f: {  	_ =	shalt  }
0x60: {  	_ =	shalt  }
0x61: {  	_ =	shalt  }
0x62: {  	_ =	shalt  }
0x63: {  	_ =	shalt  }
0x64: {  	_ =	shalt  }
0x65: {  	_ =	shalt  }
0x66: {  	_ =	shalt  }
0x67: {  	_ =	shalt  }
0x68: {  	_ =	shalt  }
0x69: {  	_ =	shalt  }
0x6a: {  	_ =	shalt  }
0x6b: {  	_ =	shalt  }
0x6c: {  	_ =	shalt  }
0x6d: {  	_ =	shalt  }
0x6e: {  	_ =	shalt  }
0x6f: {  	_ =	shalt  }
0x70: {  	_ =	shalt  }
0x71: {  	_ =	shalt  }
0x72: {  	_ =	shalt  }
0x73: {  	_ =	shalt  }
0x74: {  	_ =	shalt  }
0x75: {  	_ =	shalt  }
0x76: {  	_ =	shalt  }
0x77: {  	_ =	shalt  }
0x78: {  	_ =	shalt  }
0x79: {  	_ =	shalt  }
0x7a: {  	_ =	shalt  }
0x7b: {  	_ =	shalt  }
0x7c: {  	_ =	shalt  }
0x7d: {  	_ =	shalt  }
0x7e: {  	_ =	shalt  }
0x7f: {  	_ =	shalt  }
0x80: {  	_ =	shalt  }
0x81: {  	_ =	shalt  }
0x82: {  	_ =	shalt  }
0x83: {  	_ =	shalt  }
0x84: {  	_ =	shalt  }
0x85: {  	_ =	shalt  }
0x86: {  	_ =	shalt  }
0x87: {  	_ =	shalt  }
.Lfunc_end0:
.L_simem_size_0:
called_computation_lowered:
.L_overlay_start_0:
0x88: {  	s0 =	sld [smem:$0x3FD9]  }
0x89: {  	s1 =	sld [smem:$0x3FFE];
	_ =	sdelay $0x3  }
0x8a: {  	s0 =	sadd.s32 s1, s0  }
0x8b: {  	[smem:$0x3FC6] =	sst s0  }
0x8c: {  	_ = 	snop  }
0x8d: {  	s0 =	sld [smem:$0x3FC9]  }
0x8e: {  	s17 =	sld [smem:$0x3FC8]  }
0x8f: {  	s2 =	sld [smem:$0x3FD0];
	(tm) =	ssettm $0x1  }
0x90: {  	s3 =	sld [smem:$0x3FFB];
	_ =	sdelay $0x3  }
0x91: {  	_ =	strace s3  }
0x92: {  	s3 =	sld [smem:$0x3FFC];
	_ =	sdelay $0x3  }
0x93: {  	_ =	strace s3  }
0x94: {  	s3 =	sld [smem:$0x3FFD];
	_ =	sdelay $0x3  }
0x95: {  	_ =	strace s3  }
0x96: {  	_ =	strace $0x8FFFFFFF  }
0x97: {  	s18 =	sld [smem:$0x3FDB];
	_ =	sdelay $0x1  }
0x98: {  	s4 =	simm.s32 $_scs_section_size  }
0x99: {  	s5 =	simm.s32 $_size__tile_overlayer_lowered;
	s6 =	simm.s32 $_tile_overlayer_lowered  }
0x9a: {  	s21 =	simm.s32 $0x1BFF;
	s20 =	sshll.u32 s6, $0x1;
	s3 =	sadd.s32 s4, s18  }
0x9b: {  	s7 =	simm.s32 $0x0;
	s19 =	sshll.u32 s5, $0x1;
	s5 =	sadd.s32 s20, s3  }
0x9c: {  	[timem:s7], [sflag:s21] =	dma.local [hbm:s5], s19  }
0x9d: {  	_ =	swait.ge [sflag:s21], s19  }
0x9e: {  	s4 =	ssub.s32 $0x0, s19;
	[sflag:s21] =	ssyncset.done $0x0  }
0x9f: {  	[sflag:s21] =	ssyncadd.s32 s4;
	_ =	sdelay $0x1  }
0xa0: {  	s22 =	simm.s32 $0x1B8B  }
0xa1: {  	_ =	swait.ge [sflag:s22], $0x1  }
0xa2: {  	[sflag:s22] =	ssyncset.done $0x0  }
0xa3: {  	s23 =	simm.s32 $0x1B8E;
	[sflag:s22] =	ssyncadd.s32 $0xFFFFFFFF  }
0xa4: {  	s24 =	simm.s32 $execute0_lowered;
	[smem:$0x3FD2] =	sst s23  }
0xa5: {  	s4 =	sshll.u32 s24, $0x1;
	_ =	strace $0x80000046;
	[dreg:$0x1] =	wrdreg $0xFFFFFFFF  }
0xa6: {  	s25 =	simm.s32 $_size_execute0_lowered;
	s3 =	sadd.s32 s3, s4;
	[dreg:$0x0] =	wrdreg $0x0  }
0xa7: {  	s4 =	sshll.u32 s25, $0x1;
	[dreg:$0x2] =	wrdreg s3  }
0xa8: {  	[dreg:$0x3] =	wrdreg s4  }
0xa9: {  	[dreg:$0x4] =	wrdreg $0xC0  }
0xaa: {  	_ =	task [dreg:s7], $0x5FFFF  }
0xab: {  	[dreg:$0x1] =	wrdreg $0xFFFFFFFF  }
0xac: {  	[dreg:$0x0] =	wrdreg $0x60  }
0xad: {  	[dreg:$0x2] =	wrdreg s0  }
0xae: {  	[dreg:$0x3] =	wrdreg s17  }
0xaf: {  	[dreg:$0x4] =	wrdreg s2  }
0xb0: {  	[dreg:$0x5] =	wrdreg $0x101800  }
0xb1: {  	[dreg:$0x6] =	wrdreg $0x9  }
0xb2: {  	_ =	task.clear_ibuf [dreg:s7], $0x7FFFF;
	_ =	strace $0x90000046  }
0xb3: {  	s26 =	simm.s32 $0x9;
	_ =	strace $0x80000048  }
0xb4: {  	_ =	swait.ge [sflag:s26], $0x1  }
0xb5: {  	[sflag:s26] =	ssyncadd.s32 $0xFFFFFFFF  }
0xb6: {  	_ =	strace $0x90000048  }
0xb7: {  	_ =	sfence  }
0xb8: {  	s28 =	sld [smem:$0x0];
	_ =	sdelay $0x1  }
0xb9: {  	s29 =	srdreg.scid  }
0xba: {  	s30 =	sshll.u32 s29, $0xD;
	s31 =	sshrl.u32 s29, $0x2  }
0xbb: {  	s1 =	sand.u32 $0x1, s29;
	s2 =	sand.u32 $0x4000, s30;
	s0 =	sadd.s32 s31, s28  }
0xbc: {  	s1 =	sor.u32 s2, s1;
	s0 =	sshll.u32 s0, $0x11  }
0xbd: {  	s0 =	sor.u32 s0, s1  }
0xbe: {  	s0 =	sadd.s32 $0x8F2B, s0  }
0xbf: {  	[sflag:s0] =	ssyncadd.remote.s32 $0x1  }
0xc0: {  	_ =	sfence.sel $0xFFFF  }
0xc1: {  	[dreg:$0x0] =	wrdreg $0xFFFFFFFF;
	(pc) =	sbr.abs _section_cstart, $3  }
0xc2: {  	[dreg:$0x1] =	wrdreg $0xFFFFFFFF  }
0xc3: {  	_ =	task.clear_ibuf [dreg:s7], $0x2FFFF;
	_ =	strace $0x9FFFFFFF  }
0xc4: {  	(tm) =	ssettm $0x7FFFFFFF  }
0xc5: {  	_ =	shalt  }
tec
execute0_lowered:
.L_overlay_start_1:
0x0: {  	(tag) =	ssettag $0x1  }
0x1: {  	s6 =	rddreg [dreg:$0x0]  }
0x2: {  	s4 =	rddreg [dreg:$0x1]  }
0x3: {  	s1 =	rddreg [dreg:$0x2]  }
0x4: {  	s3 =	rddreg [dreg:$0x3];
	s7 =	simm.s32 $0x0;
	s2 =	stileid.u32  }
0x5: {  	[smem:$0x7FF] =	sst s7;
	s5 =	sshll.u32 s2, $0x3  }
0x6: {  	s0 =	rddreg [dreg:$0x4];
	_ =	strace $0x80000047;
	s4 =	sadd.s32 s4, s5  }
0x7: {  	[tilespmem:s7], [sflag:$0x2] =	stream.linear.gather [hbm4b:s4+s7], $0x40, $0x38;
	[tilespmem:$0x104A0] =	vst v63  }
0x8: {  	s4 =	simm.s32 $0x2  }
0x9: {  	_ =	swait.ge [sflag:s4], $0x40  }
0xa: {  	[sflag:s4] =	ssyncset.done $0x0  }
0xb: {  	[sflag:s4] =	ssyncadd.s32 $0xFFFFFFC0  }
0xc: {  	v0 =	vld [tilespmem:$0x0];
	_ =	sdelay $0x4  }
0xd: {  	vm0 =	vgt.s32 v0, $0x0  }
0xe: {  	v0 =	vnsel vm0, $0x0, v0  }
0xf: {  	s5 =	sshll.u32 s2, $0x6;
	v0 =	vmin.u32 v0, $0x1869F  }
0x10: {  	s8 =	sand.u32 $0x380, s5;
	v0 =	vshrl.u32 v0, $0x3  }
0x11: {  	s8 =	sadd.s32 s6, s8;
	v1 =	vshll.u32 v0, $0xA  }
0x12: {  	v1 =	vadd.s32 s8, v1  }
0x13: {  	(v2sf) =	vpush v1, $0x0;
	_ =	sdelay $0x1  }
0x14: {  	(v2sf) =	vpush v1, $0x1  }
0x15: {  	v2 =	vld [tilespmem:$0x10]  }
0x16: {  	v3 =	vld [tilespmem:$0x20];
	(v2sf) =	vpush v1, $0x2  }
0x17: {  	v4 =	vld [tilespmem:$0x30]  }
0x18: {  	(v2sf) =	vpush v1, $0x3;
	_ =	sdelay $0x1  }
0x19: {  	(v2sf) =	vpush v1, $0x4  }
0x1a: {  	vm6 =	vgt.s32 v2, $0x0;
	vm7 =	vgt.s32 v3, $0x0  }
0x1b: {  	vm8 =	vgt.s32 v4, $0x0;
	v2 =	vnsel vm6, $0x0, v2;
	(v2sf) =	vpush v1, $0x5  }
0x1c: {  	v3 =	vnsel vm7, $0x0, v3;
	v41 =	vnsel vm8, $0x0, v4;
	v2 =	vmin.u32 v2, $0x1869F  }
0x1d: {  	v42 =	vmin.u32 v41, $0x1869F;
	v2 =	vshrl.u32 v2, $0x3;
	[tilespmem:$0x80] =	vst v0;
	(v2sf) =	vpush v1, $0x6  }
0x1e: {  	v40 =	vmin.u32 v3, $0x1869F;
	v43 =	vshrl.u32 v42, $0x3;
	[tilespmem:$0x90] =	vst v2  }
0x1f: {  	v0 =	vshrl.u32 v40, $0x3;
	[tilespmem:$0xB0] =	vst v43;
	(v2sf) =	vpush v1, $0x7  }
0x20: {  	s6 =	simm.s32 $0x100;
	[tilespmem:$0xA0] =	vst v0;
	s9 =	spop (v2sf)  }
0x21: {  	(v2sf) =	vpush v1, $0x8;
	[tilespmem:s6], [sflag:$0x1] =	stream.linear.gather [hbm4b:s9+s7], $0x400, $0x38;
	[tilespmem:$0x104A0] =	vst v63  }
0x22: {  	s10 =	simm.s32 $0x500;
	s22 =	spop (v2sf)  }
0x23: {  	(v2sf) =	vpush v1, $0x9;
	[tilespmem:s10], [sflag:$0x1] =	stream.linear.gather [hbm4b:s22+s7], $0x400, $0x38;
	[tilespmem:$0x104A0] =	vst v63  }
0x24: {  	s24 =	simm.s32 $0x900;
	s23 =	spop (v2sf)  }
0x25: {  	(v2sf) =	vpush v1, $0xA;
	[tilespmem:s24], [sflag:$0x1] =	stream.linear.gather [hbm4b:s23+s7], $0x400, $0x38;
	[tilespmem:$0x104A0] =	vst v63  }
0x26: {  	s26 =	simm.s32 $0xD00;
	s25 =	spop (v2sf)  }
0x27: {  	(v2sf) =	vpush v1, $0xB;
	[tilespmem:s26], [sflag:$0x1] =	stream.linear.gather [hbm4b:s25+s7], $0x400, $0x38;
	[tilespmem:$0x104A0] =	vst v63  }
0x28: {  	s29 =	simm.s32 $0x1100;
	s28 =	spop (v2sf)  }
0x29: {  	(v2sf) =	vpush v1, $0xC;
	[tilespmem:s29], [sflag:$0x1] =	stream.linear.gather [hbm4b:s28+s7], $0x400, $0x38;
	[tilespmem:$0x104A0] =	vst v63  }
0x2a: {  	s31 =	simm.s32 $0x1500;
	s30 =	spop (v2sf)  }
0x2b: {  	(v2sf) =	vpush v1, $0xD;
	[tilespmem:s31], [sflag:$0x1] =	stream.linear.gather [hbm4b:s30+s7], $0x400, $0x38;
	[tilespmem:$0x104A0] =	vst v63  }
0x2c: {  	s12 =	simm.s32 $0x1900;
	s11 =	spop (v2sf)  }
0x2d: {  	(v2sf) =	vpush v1, $0xE;
	[tilespmem:s12], [sflag:$0x1] =	stream.linear.gather [hbm4b:s11+s7], $0x400, $0x38;
	[tilespmem:$0x104A0] =	vst v63  }
0x2e: {  	s14 =	simm.s32 $0x1D00;
	s13 =	spop (v2sf)  }
0x2f: {  	(v2sf) =	vpush v1, $0xF;
	[tilespmem:s14], [sflag:$0x1] =	stream.linear.gather [hbm4b:s13+s7], $0x400, $0x38;
	[tilespmem:$0x104A0] =	vst v63  }
0x30: {  	s16 =	simm.s32 $0x2100;
	s15 =	spop (v2sf)  }
0x31: {  	[tilespmem:s16], [sflag:$0x1] =	stream.linear.gather [hbm4b:s15+s7], $0x400, $0x38;
	[tilespmem:$0x104A0] =	vst v63  }
0x32: {  	s18 =	simm.s32 $0x2500;
	s17 =	spop (v2sf)  }
0x33: {  	[tilespmem:s18], [sflag:$0x1] =	stream.linear.gather [hbm4b:s17+s7], $0x400, $0x38;
	[tilespmem:$0x104A0] =	vst v63  }
0x34: {  	s20 =	simm.s32 $0x2900;
	s19 =	spop (v2sf)  }
0x35: {  	[tilespmem:s20], [sflag:$0x1] =	stream.linear.gather [hbm4b:s19+s7], $0x400, $0x38;
	[tilespmem:$0x104A0] =	vst v63  }
0x36: {  	s22 =	simm.s32 $0x2D00;
	s21 =	spop (v2sf)  }
0x37: {  	[tilespmem:s22], [sflag:$0x1] =	stream.linear.gather [hbm4b:s21+s7], $0x400, $0x38;
	[tilespmem:$0x104A0] =	vst v63  }
0x38: {  	s24 =	simm.s32 $0x3100;
	s23 =	spop (v2sf)  }
0x39: {  	[tilespmem:s24], [sflag:$0x1] =	stream.linear.gather [hbm4b:s23+s7], $0x400, $0x38;
	[tilespmem:$0x104A0] =	vst v63  }
0x3a: {  	s26 =	simm.s32 $0x3500;
	s25 =	spop (v2sf)  }
0x3b: {  	[tilespmem:s26], [sflag:$0x1] =	stream.linear.gather [hbm4b:s25+s7], $0x400, $0x38;
	[tilespmem:$0x104A0] =	vst v63  }
0x3c: {  	s29 =	simm.s32 $0x3900;
	s28 =	spop (v2sf)  }
0x3d: {  	[tilespmem:s29], [sflag:$0x1] =	stream.linear.gather [hbm4b:s28+s7], $0x400, $0x38;
	[tilespmem:$0x104A0] =	vst v63  }
0x3e: {  	s31 =	simm.s32 $0x3D00;
	s30 =	spop (v2sf)  }
0x3f: {  	[tilespmem:s31], [sflag:$0x1] =	stream.linear.gather [hbm4b:s30+s7], $0x400, $0x38;
	[tilespmem:$0x104A0] =	vst v63  }
0x40: {  	v44 =	vld [tilespmem:$0x90];
	_ =	sdelay $0x4  }
0x41: {  	v0 =	vshll.u32 v44, $0xA  }
0x42: {  	(v2sf) =	vpush v0, $0x0;
	_ =	sdelay $0x1  }
0x43: {  	(v2sf) =	vpush v0, $0x1;
	_ =	sdelay $0x1  }
0x44: {  	(v2sf) =	vpush v0, $0x2;
	_ =	sdelay $0x2  }
0x45: {  	(v2sf) =	vpush v0, $0x3;
	_ =	sdelay $0x7  }
0x46: {  	s11 =	spop (v2sf);
	(v2sf) =	vpush v0, $0x4;
	_ =	sdelay $0x1  }
0x47: {  	s13 =	spop (v2sf);
	(v2sf) =	vpush v0, $0x5;
	_ =	sdelay $0x1  }
0x48: {  	s15 =	spop (v2sf);
	(v2sf) =	vpush v0, $0x6;
	_ =	sdelay $0x1  }
0x49: {  	s9 =	sand.u32 $0x1FFFFC00, s11  }
0x4a: {  	s12 =	simm.s32 $0x4100;
	s9 =	sadd.s32 s8, s9;
	s17 =	spop (v2sf);
	(v2sf) =	vpush v0, $0x7  }
0x4b: {  	[tilespmem:s12], [sflag:$0x1] =	stream.linear.gather [hbm4b:s9+s7], $0x400, $0x38;
	[tilespmem:$0x104A0] =	vst v63  }
0x4c: {  	s9 =	sand.u32 $0x1FFFFC00, s13  }
0x4d: {  	s14 =	simm.s32 $0x4500;
	s9 =	sadd.s32 s8, s9  }
0x4e: {  	[tilespmem:s14], [sflag:$0x1] =	stream.linear.gather [hbm4b:s9+s7], $0x400, $0x38;
	[tilespmem:$0x104A0] =	vst v63  }
0x4f: {  	s9 =	sand.u32 $0x1FFFFC00, s15  }
0x50: {  	s16 =	simm.s32 $0x4900;
	s9 =	sadd.s32 s8, s9  }
0x51: {  	[tilespmem:s16], [sflag:$0x1] =	stream.linear.gather [hbm4b:s9+s7], $0x400, $0x38;
	[tilespmem:$0x104A0] =	vst v63  }
0x52: {  	s19 =	spop (v2sf);
	(v2sf) =	vpush v0, $0x8  }
0x53: {  	s9 =	sand.u32 $0x1FFFFC00, s17  }
0x54: {  	s18 =	simm.s32 $0x4D00;
	s9 =	sadd.s32 s8, s9;
	s21 =	spop (v2sf);
	(v2sf) =	vpush v0, $0x9  }
0x55: {  	[tilespmem:s18], [sflag:$0x1] =	stream.linear.gather [hbm4b:s9+s7], $0x400, $0x38;
	[tilespmem:$0x104A0] =	vst v63  }
0x56: {  	s9 =	sand.u32 $0x1FFFFC00, s19;
	s23 =	spop (v2sf);
	(v2sf) =	vpush v0, $0xA  }
0x57: {  	s20 =	simm.s32 $0x5100;
	s9 =	sadd.s32 s8, s9  }
0x58: {  	[tilespmem:s20], [sflag:$0x1] =	stream.linear.gather [hbm4b:s9+s7], $0x400, $0x38;
	[tilespmem:$0x104A0] =	vst v63  }
0x59: {  	s25 =	spop (v2sf);
	(v2sf) =	vpush v0, $0xB  }
0x5a: {  	s9 =	sand.u32 $0x1FFFFC00, s21  }
0x5b: {  	s22 =	simm.s32 $0x5500;
	s9 =	sadd.s32 s8, s9  }
0x5c: {  	[tilespmem:s22], [sflag:$0x1] =	stream.linear.gather [hbm4b:s9+s7], $0x400, $0x38;
	[tilespmem:$0x104A0] =	vst v63  }
0x5d: {  	s9 =	sand.u32 $0x1FFFFC00, s23  }
0x5e: {  	s24 =	simm.s32 $0x5900;
	s9 =	sadd.s32 s8, s9  }
0x5f: {  	[tilespmem:s24], [sflag:$0x1] =	stream.linear.gather [hbm4b:s9+s7], $0x400, $0x38;
	[tilespmem:$0x104A0] =	vst v63  }
0x60: {  	s9 =	sand.u32 $0x1FFFFC00, s25  }
0x61: {  	s26 =	simm.s32 $0x5D00;
	s9 =	sadd.s32 s8, s9;
	s28 =	spop (v2sf);
	(v2sf) =	vpush v0, $0xC  }
0x62: {  	[tilespmem:s26], [sflag:$0x1] =	stream.linear.gather [hbm4b:s9+s7], $0x400, $0x38;
	[tilespmem:$0x104A0] =	vst v63  }
0x63: {  	s30 =	spop (v2sf);
	(v2sf) =	vpush v0, $0xD  }
0x64: {  	s9 =	sand.u32 $0x1FFFFC00, s28  }
0x65: {  	s29 =	simm.s32 $0x6100;
	s9 =	sadd.s32 s8, s9;
	s11 =	spop (v2sf)  }
0x66: {  	(v2sf) =	vpush v0, $0xE;
	[tilespmem:s29], [sflag:$0x1] =	stream.linear.gather [hbm4b:s9+s7], $0x400, $0x38;
	[tilespmem:$0x104A0] =	vst v63  }
0x67: {  	s9 =	sand.u32 $0x1FFFFC00, s30  }
0x68: {  	s31 =	simm.s32 $0x6500;
	s13 =	spop (v2sf);
	s9 =	sadd.s32 s8, s9  }
0x69: {  	(v2sf) =	vpush v0, $0xF;
	[tilespmem:s31], [sflag:$0x1] =	stream.linear.gather [hbm4b:s9+s7], $0x400, $0x38;
	[tilespmem:$0x104A0] =	vst v63  }
0x6a: {  	s9 =	sand.u32 $0x1FFFFC00, s11  }
0x6b: {  	s12 =	simm.s32 $0x6900;
	s9 =	sadd.s32 s8, s9  }
0x6c: {  	[tilespmem:s12], [sflag:$0x1] =	stream.linear.gather [hbm4b:s9+s7], $0x400, $0x38;
	[tilespmem:$0x104A0] =	vst v63  }
0x6d: {  	s9 =	sand.u32 $0x1FFFFC00, s13  }
0x6e: {  	s14 =	simm.s32 $0x6D00;
	s9 =	sadd.s32 s8, s9  }
0x6f: {  	[tilespmem:s14], [sflag:$0x1] =	stream.linear.gather [hbm4b:s9+s7], $0x400, $0x38;
	[tilespmem:$0x104A0] =	vst v63  }
0x70: {  	s15 =	spop (v2sf)  }
0x71: {  	s9 =	sand.u32 $0x1FFFFC00, s15  }
0x72: {  	s16 =	simm.s32 $0x7100;
	s17 =	spop (v2sf);
	s9 =	sadd.s32 s8, s9  }
0x73: {  	[tilespmem:s16], [sflag:$0x1] =	stream.linear.gather [hbm4b:s9+s7], $0x400, $0x38;
	[tilespmem:$0x104A0] =	vst v63  }
0x74: {  	s9 =	sand.u32 $0x1FFFFC00, s17  }
0x75: {  	s18 =	simm.s32 $0x7500;
	s19 =	spop (v2sf);
	s9 =	sadd.s32 s8, s9  }
0x76: {  	[tilespmem:s18], [sflag:$0x1] =	stream.linear.gather [hbm4b:s9+s7], $0x400, $0x38;
	[tilespmem:$0x104A0] =	vst v63  }
0x77: {  	s9 =	sand.u32 $0x1FFFFC00, s19  }
0x78: {  	s20 =	simm.s32 $0x7900;
	s21 =	spop (v2sf);
	s9 =	sadd.s32 s8, s9  }
0x79: {  	[tilespmem:s20], [sflag:$0x1] =	stream.linear.gather [hbm4b:s9+s7], $0x400, $0x38;
	[tilespmem:$0x104A0] =	vst v63  }
0x7a: {  	s9 =	sand.u32 $0x1FFFFC00, s21  }
0x7b: {  	s22 =	simm.s32 $0x7D00;
	s9 =	sadd.s32 s8, s9  }
0x7c: {  	[tilespmem:s22], [sflag:$0x1] =	stream.linear.gather [hbm4b:s9+s7], $0x400, $0x38;
	[tilespmem:$0x104A0] =	vst v63  }
0x7d: {  	v45 =	vld [tilespmem:$0xA0];
	_ =	sdelay $0x4  }
0x7e: {  	v0 =	vshll.u32 v45, $0xA  }
0x7f: {  	(v2sf) =	vpush v0, $0x0;
	_ =	sdelay $0x1  }
0x80: {  	(v2sf) =	vpush v0, $0x1;
	_ =	sdelay $0x1  }
0x81: {  	(v2sf) =	vpush v0, $0x2;
	_ =	sdelay $0x2  }
0x82: {  	(v2sf) =	vpush v0, $0x3;
	_ =	sdelay $0x7  }
0x83: {  	s23 =	spop (v2sf);
	(v2sf) =	vpush v0, $0x4;
	_ =	sdelay $0x1  }
0x84: {  	s25 =	spop (v2sf);
	(v2sf) =	vpush v0, $0x5;
	_ =	sdelay $0x1  }
0x85: {  	s28 =	spop (v2sf);
	(v2sf) =	vpush v0, $0x6;
	_ =	sdelay $0x1  }
0x86: {  	s9 =	sand.u32 $0x1FFFFC00, s23  }
0x87: {  	s24 =	simm.s32 $0x8100;
	s9 =	sadd.s32 s8, s9;
	s30 =	spop (v2sf);
	(v2sf) =	vpush v0, $0x7  }
0x88: {  	[tilespmem:s24], [sflag:$0x1] =	stream.linear.gather [hbm4b:s9+s7], $0x400, $0x38;
	[tilespmem:$0x104A0] =	vst v63  }
0x89: {  	s9 =	sand.u32 $0x1FFFFC00, s25  }
0x8a: {  	s26 =	simm.s32 $0x8500;
	s9 =	sadd.s32 s8, s9  }
0x8b: {  	[tilespmem:s26], [sflag:$0x1] =	stream.linear.gather [hbm4b:s9+s7], $0x400, $0x38;
	[tilespmem:$0x104A0] =	vst v63  }
0x8c: {  	s9 =	sand.u32 $0x1FFFFC00, s28  }
0x8d: {  	s29 =	simm.s32 $0x8900;
	s9 =	sadd.s32 s8, s9  }
0x8e: {  	[tilespmem:s29], [sflag:$0x1] =	stream.linear.gather [hbm4b:s9+s7], $0x400, $0x38;
	[tilespmem:$0x104A0] =	vst v63  }
0x8f: {  	s11 =	spop (v2sf);
	(v2sf) =	vpush v0, $0x8  }
0x90: {  	s9 =	sand.u32 $0x1FFFFC00, s30  }
0x91: {  	s31 =	simm.s32 $0x8D00;
	s9 =	sadd.s32 s8, s9;
	s13 =	spop (v2sf);
	(v2sf) =	vpush v0, $0x9  }
0x92: {  	[tilespmem:s31], [sflag:$0x1] =	stream.linear.gather [hbm4b:s9+s7], $0x400, $0x38;
	[tilespmem:$0x104A0] =	vst v63  }
0x93: {  	s9 =	sand.u32 $0x1FFFFC00, s11;
	s15 =	spop (v2sf);
	(v2sf) =	vpush v0, $0xA  }
0x94: {  	s12 =	simm.s32 $0x9100;
	s9 =	sadd.s32 s8, s9  }
0x95: {  	[tilespmem:s12], [sflag:$0x1] =	stream.linear.gather [hbm4b:s9+s7], $0x400, $0x38;
	[tilespmem:$0x104A0] =	vst v63  }
0x96: {  	s17 =	spop (v2sf);
	(v2sf) =	vpush v0, $0xB  }
0x97: {  	s9 =	sand.u32 $0x1FFFFC00, s13  }
0x98: {  	s14 =	simm.s32 $0x9500;
	s9 =	sadd.s32 s8, s9  }
0x99: {  	[tilespmem:s14], [sflag:$0x1] =	stream.linear.gather [hbm4b:s9+s7], $0x400, $0x38;
	[tilespmem:$0x104A0] =	vst v63  }
0x9a: {  	s9 =	sand.u32 $0x1FFFFC00, s15  }
0x9b: {  	s16 =	simm.s32 $0x9900;
	s9 =	sadd.s32 s8, s9  }
0x9c: {  	[tilespmem:s16], [sflag:$0x1] =	stream.linear.gather [hbm4b:s9+s7], $0x400, $0x38;
	[tilespmem:$0x104A0] =	vst v63  }
0x9d: {  	s9 =	sand.u32 $0x1FFFFC00, s17  }
0x9e: {  	s18 =	simm.s32 $0x9D00;
	s9 =	sadd.s32 s8, s9;
	s19 =	spop (v2sf);
	(v2sf) =	vpush v0, $0xC  }
0x9f: {  	[tilespmem:s18], [sflag:$0x1] =	stream.linear.gather [hbm4b:s9+s7], $0x400, $0x38;
	[tilespmem:$0x104A0] =	vst v63  }
0xa0: {  	s21 =	spop (v2sf);
	(v2sf) =	vpush v0, $0xD  }
0xa1: {  	s9 =	sand.u32 $0x1FFFFC00, s19  }
0xa2: {  	s20 =	simm.s32 $0xA100;
	s9 =	sadd.s32 s8, s9;
	s23 =	spop (v2sf)  }
0xa3: {  	(v2sf) =	vpush v0, $0xE;
	[tilespmem:s20], [sflag:$0x1] =	stream.linear.gather [hbm4b:s9+s7], $0x400, $0x38;
	[tilespmem:$0x104A0] =	vst v63  }
0xa4: {  	s9 =	sand.u32 $0x1FFFFC00, s21  }
0xa5: {  	s22 =	simm.s32 $0xA500;
	s25 =	spop (v2sf);
	s9 =	sadd.s32 s8, s9  }
0xa6: {  	(v2sf) =	vpush v0, $0xF;
	[tilespmem:s22], [sflag:$0x1] =	stream.linear.gather [hbm4b:s9+s7], $0x400, $0x38;
	[tilespmem:$0x104A0] =	vst v63  }
0xa7: {  	s9 =	sand.u32 $0x1FFFFC00, s23  }
0xa8: {  	s24 =	simm.s32 $0xA900;
	s9 =	sadd.s32 s8, s9  }
0xa9: {  	[tilespmem:s24], [sflag:$0x1] =	stream.linear.gather [hbm4b:s9+s7], $0x400, $0x38;
	[tilespmem:$0x104A0] =	vst v63  }
0xaa: {  	s9 =	sand.u32 $0x1FFFFC00, s25  }
0xab: {  	s26 =	simm.s32 $0xAD00;
	s9 =	sadd.s32 s8, s9  }
0xac: {  	[tilespmem:s26], [sflag:$0x1] =	stream.linear.gather [hbm4b:s9+s7], $0x400, $0x38;
	[tilespmem:$0x104A0] =	vst v63  }
0xad: {  	s28 =	spop (v2sf)  }
0xae: {  	s9 =	sand.u32 $0x1FFFFC00, s28  }
0xaf: {  	s29 =	simm.s32 $0xB100;
	s30 =	spop (v2sf);
	s9 =	sadd.s32 s8, s9  }
0xb0: {  	[tilespmem:s29], [sflag:$0x1] =	stream.linear.gather [hbm4b:s9+s7], $0x400, $0x38;
	[tilespmem:$0x104A0] =	vst v63  }
0xb1: {  	s9 =	sand.u32 $0x1FFFFC00, s30  }
0xb2: {  	s31 =	simm.s32 $0xB500;
	s11 =	spop (v2sf);
	s9 =	sadd.s32 s8, s9  }
0xb3: {  	[tilespmem:s31], [sflag:$0x1] =	stream.linear.gather [hbm4b:s9+s7], $0x400, $0x38;
	[tilespmem:$0x104A0] =	vst v63  }
0xb4: {  	s9 =	sand.u32 $0x1FFFFC00, s11  }
0xb5: {  	s12 =	simm.s32 $0xB900;
	s13 =	spop (v2sf);
	s9 =	sadd.s32 s8, s9  }
0xb6: {  	[tilespmem:s12], [sflag:$0x1] =	stream.linear.gather [hbm4b:s9+s7], $0x400, $0x38;
	[tilespmem:$0x104A0] =	vst v63  }
0xb7: {  	s9 =	sand.u32 $0x1FFFFC00, s13  }
0xb8: {  	s14 =	simm.s32 $0xBD00;
	s9 =	sadd.s32 s8, s9  }
0xb9: {  	[tilespmem:s14], [sflag:$0x1] =	stream.linear.gather [hbm4b:s9+s7], $0x400, $0x38;
	[tilespmem:$0x104A0] =	vst v63  }
0xba: {  	v46 =	vld [tilespmem:$0xB0];
	_ =	sdelay $0x4  }
0xbb: {  	v0 =	vshll.u32 v46, $0xA  }
0xbc: {  	(v2sf) =	vpush v0, $0x0;
	_ =	sdelay $0x1  }
0xbd: {  	(v2sf) =	vpush v0, $0x1;
	_ =	sdelay $0x1  }
0xbe: {  	(v2sf) =	vpush v0, $0x2;
	_ =	sdelay $0x2  }
0xbf: {  	(v2sf) =	vpush v0, $0x3;
	_ =	sdelay $0x7  }
0xc0: {  	s15 =	spop (v2sf);
	(v2sf) =	vpush v0, $0x4;
	_ =	sdelay $0x1  }
0xc1: {  	s17 =	spop (v2sf);
	(v2sf) =	vpush v0, $0x5;
	_ =	sdelay $0x1  }
0xc2: {  	s19 =	spop (v2sf);
	(v2sf) =	vpush v0, $0x6;
	_ =	sdelay $0x1  }
0xc3: {  	s9 =	sand.u32 $0x1FFFFC00, s15  }
0xc4: {  	s16 =	simm.s32 $0xC100;
	s9 =	sadd.s32 s8, s9;
	s21 =	spop (v2sf);
	(v2sf) =	vpush v0, $0x7  }
0xc5: {  	[tilespmem:s16], [sflag:$0x1] =	stream.linear.gather [hbm4b:s9+s7], $0x400, $0x38;
	[tilespmem:$0x104A0] =	vst v63  }
0xc6: {  	s9 =	sand.u32 $0x1FFFFC00, s17  }
0xc7: {  	s18 =	simm.s32 $0xC500;
	s9 =	sadd.s32 s8, s9  }
0xc8: {  	[tilespmem:s18], [sflag:$0x1] =	stream.linear.gather [hbm4b:s9+s7], $0x400, $0x38;
	[tilespmem:$0x104A0] =	vst v63  }
0xc9: {  	s9 =	sand.u32 $0x1FFFFC00, s19  }
0xca: {  	s20 =	simm.s32 $0xC900;
	s9 =	sadd.s32 s8, s9  }
0xcb: {  	[tilespmem:s20], [sflag:$0x1] =	stream.linear.gather [hbm4b:s9+s7], $0x400, $0x38;
	[tilespmem:$0x104A0] =	vst v63  }
0xcc: {  	s23 =	spop (v2sf);
	(v2sf) =	vpush v0, $0x8  }
0xcd: {  	s9 =	sand.u32 $0x1FFFFC00, s21  }
0xce: {  	s22 =	simm.s32 $0xCD00;
	s9 =	sadd.s32 s8, s9;
	s25 =	spop (v2sf);
	(v2sf) =	vpush v0, $0x9  }
0xcf: {  	[tilespmem:s22], [sflag:$0x1] =	stream.linear.gather [hbm4b:s9+s7], $0x400, $0x38;
	[tilespmem:$0x104A0] =	vst v63  }
0xd0: {  	s9 =	sand.u32 $0x1FFFFC00, s23;
	s28 =	spop (v2sf);
	(v2sf) =	vpush v0, $0xA  }
0xd1: {  	s24 =	simm.s32 $0xD100;
	s9 =	sadd.s32 s8, s9  }
0xd2: {  	[tilespmem:s24], [sflag:$0x1] =	stream.linear.gather [hbm4b:s9+s7], $0x400, $0x38;
	[tilespmem:$0x104A0] =	vst v63  }
0xd3: {  	s30 =	spop (v2sf);
	(v2sf) =	vpush v0, $0xB  }
0xd4: {  	s9 =	sand.u32 $0x1FFFFC00, s25  }
0xd5: {  	s26 =	simm.s32 $0xD500;
	s9 =	sadd.s32 s8, s9  }
0xd6: {  	[tilespmem:s26], [sflag:$0x1] =	stream.linear.gather [hbm4b:s9+s7], $0x400, $0x38;
	[tilespmem:$0x104A0] =	vst v63  }
0xd7: {  	s9 =	sand.u32 $0x1FFFFC00, s28  }
0xd8: {  	s29 =	simm.s32 $0xD900;
	s9 =	sadd.s32 s8, s9  }
0xd9: {  	[tilespmem:s29], [sflag:$0x1] =	stream.linear.gather [hbm4b:s9+s7], $0x400, $0x38;
	[tilespmem:$0x104A0] =	vst v63  }
0xda: {  	s9 =	sand.u32 $0x1FFFFC00, s30  }
0xdb: {  	s31 =	simm.s32 $0xDD00;
	s9 =	sadd.s32 s8, s9;
	s10 =	spop (v2sf);
	(v2sf) =	vpush v0, $0xC  }
0xdc: {  	[tilespmem:s31], [sflag:$0x1] =	stream.linear.gather [hbm4b:s9+s7], $0x400, $0x38;
	[tilespmem:$0x104A0] =	vst v63  }
0xdd: {  	s12 =	spop (v2sf);
	(v2sf) =	vpush v0, $0xD  }
0xde: {  	s9 =	sand.u32 $0x1FFFFC00, s10  }
0xdf: {  	s11 =	simm.s32 $0xE100;
	s9 =	sadd.s32 s8, s9;
	s14 =	spop (v2sf)  }
0xe0: {  	(v2sf) =	vpush v0, $0xE;
	[tilespmem:s11], [sflag:$0x1] =	stream.linear.gather [hbm4b:s9+s7], $0x400, $0x38;
	[tilespmem:$0x104A0] =	vst v63  }
0xe1: {  	s9 =	sand.u32 $0x1FFFFC00, s12  }
0xe2: {  	s13 =	simm.s32 $0xE500;
	s16 =	spop (v2sf);
	s9 =	sadd.s32 s8, s9  }
0xe3: {  	(v2sf) =	vpush v0, $0xF;
	[tilespmem:s13], [sflag:$0x1] =	stream.linear.gather [hbm4b:s9+s7], $0x400, $0x38;
	[tilespmem:$0x104A0] =	vst v63  }
0xe4: {  	s9 =	sand.u32 $0x1FFFFC00, s14  }
0xe5: {  	s15 =	simm.s32 $0xE900;
	s9 =	sadd.s32 s8, s9  }
0xe6: {  	[tilespmem:s15], [sflag:$0x1] =	stream.linear.gather [hbm4b:s9+s7], $0x400, $0x38;
	[tilespmem:$0x104A0] =	vst v63  }
0xe7: {  	s9 =	sand.u32 $0x1FFFFC00, s16  }
0xe8: {  	s17 =	simm.s32 $0xED00;
	s9 =	sadd.s32 s8, s9  }
0xe9: {  	[tilespmem:s17], [sflag:$0x1] =	stream.linear.gather [hbm4b:s9+s7], $0x400, $0x38;
	[tilespmem:$0x104A0] =	vst v63  }
0xea: {  	s18 =	spop (v2sf)  }
0xeb: {  	s9 =	sand.u32 $0x1FFFFC00, s18  }
0xec: {  	s19 =	simm.s32 $0xF100;
	s20 =	spop (v2sf);
	s9 =	sadd.s32 s8, s9  }
0xed: {  	[tilespmem:s19], [sflag:$0x1] =	stream.linear.gather [hbm4b:s9+s7], $0x400, $0x38;
	[tilespmem:$0x104A0] =	vst v63  }
0xee: {  	s9 =	sand.u32 $0x1FFFFC00, s20  }
0xef: {  	s21 =	simm.s32 $0xF500;
	s22 =	spop (v2sf);
	s9 =	sadd.s32 s8, s9  }
0xf0: {  	[tilespmem:s21], [sflag:$0x1] =	stream.linear.gather [hbm4b:s9+s7], $0x400, $0x38;
	[tilespmem:$0x104A0] =	vst v63  }
0xf1: {  	s9 =	sand.u32 $0x1FFFFC00, s22  }
0xf2: {  	s23 =	simm.s32 $0xF900;
	s24 =	spop (v2sf);
	s9 =	sadd.s32 s8, s9  }
0xf3: {  	[tilespmem:s23], [sflag:$0x1] =	stream.linear.gather [hbm4b:s9+s7], $0x400, $0x38;
	[tilespmem:$0x104A0] =	vst v63  }
0xf4: {  	s9 =	sand.u32 $0x1FFFFC00, s24  }
0xf5: {  	s25 =	simm.s32 $0xFD00;
	s26 =	simm.s32 $0x1;
	s8 =	sadd.s32 s8, s9  }
0xf6: {  	[tilespmem:s25], [sflag:$0x1] =	stream.linear.gather [hbm4b:s8+s7], $0x400, $0x38;
	[tilespmem:$0x104A0] =	vst v63  }
0xf7: {  	_ =	swait.ge [sflag:s26], $0x10000  }
0xf8: {  	[sflag:s26] =	ssyncset.done $0x0  }
0xf9: {  	[sflag:s26] =	ssyncadd.s32 $0xFFFF0000  }
0xfa: {  	v47 =	vld [tilespmem:$0x0]  }
0xfb: {  	v48 =	vld [tilespmem:$0x10]  }
0xfc: {  	v49 =	vlaneseq.u32;
	v5 =	vld [tilespmem:$0x20]  }
0xfd: {  	v8 =	vmul.u32 $0x400, v49;
	v9 =	vld [tilespmem:$0x30]  }
0xfe: {  	v6 =	vor.u32 $0x10, v49;
	v54 =	vor.u32 $0x20, v49;
	v51 =	vor.u32 s5, v49  }
0xff: {  	v6 =	vor.u32 s5, v6;
	v10 =	vor.u32 $0x4000, v8;
	v58 =	vor.u32 $0x8000, v8  }
0x100: {  	v52 =	vand.u32 $0x5F, v6;
	v4 =	vand.u32 $0x4F, v51;
	v2 =	vor.u32 $0x30, v49  }
0x101: {  	vm9 =	vgt.s32 v47, $0x0;
	vm10 =	vgt.s32 v48, $0x0;
	vm11 =	vgt.s32 v5, $0x0  }
0x102: {  	vm12 =	vgt.s32 v9, $0x0;
	v50 =	vnsel vm9, $0x0, v47;
	v7 =	vnsel vm10, $0x0, v48  }
0x103: {  	v55 =	vnsel vm11, $0x0, v5;
	v56 =	vnsel vm12, $0x0, v9;
	v3 =	vmin.u32 v50, $0x1869F  }
0x104: {  	v7 =	vmin.u32 v7, $0x1869F;
	v57 =	vmin.u32 v56, $0x1869F;
	v3 =	vshll.u32 v3, $0x7  }
0x105: {  	v53 =	vshll.u32 v7, $0x7;
	v7 =	vmin.u32 v55, $0x1869F;
	v3 =	vand.u32 $0x380, v3  }
0x106: {  	v6 =	vand.u32 $0x380, v53;
	v7 =	vshll.u32 v7, $0x7;
	v3 =	vor.u32 v3, v4  }
0x107: {  	v4 =	vor.u32 v6, v52;
	v6 =	vor.u32 s5, v54;
	v3 =	vor.u32 v8, v3  }
0x108: {  	v7 =	vand.u32 $0x380, v7;
	v4 =	vor.u32 v10, v4;
	v6 =	vand.u32 $0x6F, v6  }
0x109: {  	v2 =	vor.u32 s5, v2;
	v6 =	vor.u32 v7, v6;
	v7 =	vshll.u32 v57, $0x7  }
0x10a: {  	v2 =	vand.u32 $0x7F, v2;
	v6 =	vor.u32 v58, v6;
	v7 =	vand.u32 $0x380, v7  }
0x10b: {  	v59 =	vor.u32 $0xC000, v8;
	v2 =	vor.u32 v7, v2  }
0x10c: {  	v2 =	vor.u32 v59, v2;
	v3 =	vld.idx.msk [tilespmem:v3+s6+$0x0], $0xffff  }
0x10d: {  	v4 =	vld.idx.msk [tilespmem:v4+s6+$0x0], $0xffff;
	_ =	sdelay $0x1  }
0x10e: {  	v6 =	vld.idx.msk [tilespmem:v6+s6+$0x0], $0xffff  }
0x10f: {  	v61 =	vimm.f32 $1.000000000e+00;
	vm13 =	veq.s32 v47, $0xFFFFFF9C  }
0x110: {  	vm1 =	veq.s32 v48, $0xFFFFFF9C;
	v62 =	vsel vm13, $0x0, v61;
	v2 =	vld.idx.msk [tilespmem:v2+s6+$0x0], $0xffff  }
0x111: {  	v63 =	vsel vm1, $0x0, v61;
	v3 =	vsub.f32 $0.0e+00, v3;
	v60 =	vsub.f32 $0.0e+00, v4  }
0x112: {  	vm14 =	veq.s32 v5, $0xFFFFFF9C;
	v1 =	vadd.f32 v63, v62  }
0x113: {  	v3 =	vsel vm13, $0x0, v3;
	v0 =	vsel vm1, $0x0, v60;
	v6 =	vsub.f32 $0.0e+00, v6  }
0x114: {  	vm15 =	veq.s32 v9, $0xFFFFFF9C;
	v7 =	vsel vm14, $0x0, v61;
	v0 =	vadd.f32 v0, v3  }
0x115: {  	v1 =	vadd.f32 v7, v1;
	v6 =	vsel vm14, $0x0, v6;
	v2 =	vsub.f32 $0.0e+00, v2  }
0x116: {  	v8 =	vsel vm15, $0x0, v61;
	v0 =	vadd.f32 v6, v0  }
0x117: {  	v1 =	vadd.f32 v8, v1;
	v2 =	vsel vm15, $0x0, v2  }
0x118: {  	v0 =	vadd.f32 v2, v0  }
0x119: {  	s28 =	sshll.u32 s2, $0x5;
	[tilespmem:$0x10110] =	vst v1  }
0x11a: {  	s29 =	simm.s32 $0x10100;
	s5 =	sadd.s32 s28, s3;
	[tilespmem:$0x10100] =	vst v0  }
0x11b: {  	[spmem:s5] =	stream.linear.scatter [tilespmem:s29], [sflag:$0x2], $0x20, $0x38;
	[tilespmem:$0x104A0] =	vst v63  }
0x11c: {  	_ =	swait.ge [sflag:s4], $0x20  }
0x11d: {  	[sflag:s4] =	ssyncset.done $0x0  }
0x11e: {  	[sflag:s4] =	ssyncadd.s32 $0xFFFFFFE0  }
0x11f: {  	s30 =	simm.s32 $0x101A0;
	[bflag:$0x0] =	sbarrier.arrive $0xFFFF  }
0x120: {  	[tilespmem:s30], [sflag:$0x2] =	stream.linear.gather [spmem:s3], $0x200, $0x38;
	[tilespmem:$0x104A0] =	vst v63  }
0x121: {  	_ =	swait.ge [sflag:s4], $0x200  }
0x122: {  	[sflag:s4] =	ssyncset.done $0x0  }
0x123: {  	[sflag:s4] =	ssyncadd.s32 $0xFFFFFE00  }
0x124: {  	v9 =	vld [tilespmem:$0x101A0];
	_ =	sdelay $0x1  }
0x125: {  	v10 =	vld [tilespmem:$0x101C0];
	_ =	sdelay $0x1  }
0x126: {  	v11 =	vld [tilespmem:$0x101E0]  }
0x127: {  	v0 =	vadd.f32 $0.0e+00, v9  }
0x128: {  	v12 =	vld [tilespmem:$0x10200]  }
0x129: {  	v0 =	vadd.f32 v10, v0  }
0x12a: {  	v13 =	vld [tilespmem:$0x10220]  }
0x12b: {  	v0 =	vadd.f32 v11, v0  }
0x12c: {  	v14 =	vld [tilespmem:$0x10240]  }
0x12d: {  	v0 =	vadd.f32 v12, v0  }
0x12e: {  	v15 =	vld [tilespmem:$0x10260]  }
0x12f: {  	v0 =	vadd.f32 v13, v0  }
0x130: {  	v16 =	vld [tilespmem:$0x10280]  }
0x131: {  	v0 =	vadd.f32 v14, v0  }
0x132: {  	v17 =	vld [tilespmem:$0x102A0]  }
0x133: {  	v0 =	vadd.f32 v15, v0  }
0x134: {  	v18 =	vld [tilespmem:$0x102C0]  }
0x135: {  	v0 =	vadd.f32 v16, v0  }
0x136: {  	v19 =	vld [tilespmem:$0x102E0]  }
0x137: {  	v0 =	vadd.f32 v17, v0  }
0x138: {  	v20 =	vld [tilespmem:$0x10300]  }
0x139: {  	v0 =	vadd.f32 v18, v0  }
0x13a: {  	v21 =	vld [tilespmem:$0x10320]  }
0x13b: {  	v22 =	vld [tilespmem:$0x101B0];
	v0 =	vadd.f32 v19, v0  }
0x13c: {  	v24 =	vimm.s32 $0xFEDCBA98;
	v23 =	vld [tilespmem:$0x10340]  }
0x13d: {  	v26 =	vimm.s32 $0x76543210;
	v5 =	vunpack.c.l.s4.s8 v24;
	v25 =	vld [tilespmem:$0x101D0];
	v0 =	vadd.f32 v20, v0  }
0x13e: {  	v2 =	vunpack.c.l.s4.s8 v26;
	v27 =	vld [tilespmem:$0x10360]  }
0x13f: {  	v29 =	vunpack.c.0.s8.s32 v5;
	v28 =	vld [tilespmem:$0x101F0];
	v0 =	vadd.f32 v21, v0  }
0x140: {  	v2 =	vunpack.c.0.s8.s32 v2;
	v30 =	vld [tilespmem:$0x10380];
	v4 =	vadd.f32 $0.0e+00, v22  }
0x141: {  	v32 =	vand.u32 $0xF, v29;
	v31 =	vld [tilespmem:$0x10210];
	v0 =	vadd.f32 v23, v0  }
0x142: {  	v1 =	vcombine.low v32, v2;
	v33 =	vadd.f32 v25, v4  }
0x143: {  	v34 =	vld [tilespmem:$0x10230];
	v0 =	vadd.f32 v27, v0  }
0x144: {  	v35 =	vimm.s32 $0xBA98FEDC;
	v36 =	vimm.s32 $0x32107654;
	v3 =	vadd.f32 v28, v33  }
0x145: {  	v38 =	vunpack.c.l.s4.s8 v36;
	v37 =	vld [tilespmem:$0x10250];
	v4 =	vunpack.c.l.s4.s8 v35;
	v0 =	vadd.f32 v30, v0  }
0x146: {  	v3 =	vadd.f32 v31, v3  }
0x147: {  	s31 =	simm.s32 $0x10420;
	v5 =	vunpack.c.0.s8.s32 v38;
	v39 =	vld [tilespmem:$0x10270];
	v4 =	vunpack.c.0.s8.s32 v4;
	[tilespmem:$0x10420] =	vst v0  }
0x148: {  	v2 =	vadd.f32 v34, v3;
	v40 =	vld.idx.msk [tilespmem:v1+s31+$0x0], $0xffff  }
0x149: {  	v41 =	vld [tilespmem:$0x10290];
	v4 =	vcombine.low v5, v4  }
0x14a: {  	v2 =	vadd.f32 v37, v2  }
0x14b: {  	v42 =	vld [tilespmem:$0x102B0];
	v4 =	vand.u32 $0xF, v4  }
0x14c: {  	v43 =	vimm.s32 $0xDCFE98BA;
	v44 =	vimm.s32 $0x54761032;
	v2 =	vadd.f32 v39, v2  }
0x14d: {  	v46 =	vunpack.c.l.s4.s8 v43;
	v47 =	vunpack.c.l.s4.s8 v44;
	v45 =	vld [tilespmem:$0x102D0];
	v0 =	vadd.f32 v40, v0  }
0x14e: {  	v2 =	vadd.f32 v41, v2  }
0x14f: {  	v6 =	vunpack.c.0.s8.s32 v47;
	v48 =	vld [tilespmem:$0x102F0];
	v3 =	vunpack.c.0.s8.s32 v46;
	[tilespmem:$0x10420] =	vst v0  }
0x150: {  	v2 =	vadd.f32 v42, v2;
	v49 =	vld.idx.msk [tilespmem:v4+s31+$0x0], $0xffff  }
0x151: {  	v50 =	vld [tilespmem:$0x10310];
	v3 =	vcombine.low v6, v3  }
0x152: {  	v2 =	vadd.f32 v45, v2  }
0x153: {  	v51 =	vld [tilespmem:$0x10330];
	v3 =	vand.u32 $0xF, v3  }
0x154: {  	v53 =	vimm.s32 $0x67452301;
	v52 =	vimm.s32 $0xEFCDAB89;
	v2 =	vadd.f32 v48, v2  }
0x155: {  	v55 =	vunpack.c.l.s4.s8 v53;
	v54 =	vunpack.c.l.s4.s8 v52;
	v56 =	vld [tilespmem:$0x10350];
	v0 =	vadd.f32 v49, v0  }
0x156: {  	v2 =	vadd.f32 v50, v2  }
0x157: {  	v8 =	vunpack.c.0.s8.s32 v55;
	v57 =	vld [tilespmem:$0x10370];
	v5 =	vunpack.c.0.s8.s32 v54;
	[tilespmem:$0x10420] =	vst v0  }
0x158: {  	v2 =	vadd.f32 v51, v2;
	v58 =	vld.idx.msk [tilespmem:v3+s31+$0x0], $0xffff  }
0x159: {  	v59 =	vld [tilespmem:$0x10390];
	v5 =	vcombine.low v8, v5  }
0x15a: {  	v2 =	vadd.f32 v56, v2  }
0x15b: {  	v5 =	vand.u32 $0xF, v5  }
0x15c: {  	v2 =	vadd.f32 v57, v2  }
0x15d: {  	v0 =	vadd.f32 v58, v0  }
0x15e: {  	v2 =	vadd.f32 v59, v2  }
0x15f: {  	[tilespmem:$0x10420] =	vst v0  }
0x160: {  	v60 =	vld.idx.msk [tilespmem:v5+s31+$0x0], $0xffff;
	[tilespmem:$0x10420] =	vst v2  }
0x161: {  	v1 =	vld.idx.msk [tilespmem:v1+s31+$0x0], $0xffff;
	_ =	sdelay $0x4  }
0x162: {  	v1 =	vadd.f32 v1, v2;
	_ =	sdelay $0x1  }
0x163: {  	[tilespmem:$0x10420] =	vst v1  }
0x164: {  	v61 =	vld.idx.msk [tilespmem:v4+s31+$0x0], $0xffff;
	_ =	sdelay $0x4  }
0x165: {  	v1 =	vadd.f32 v61, v1;
	_ =	sdelay $0x1  }
0x166: {  	[tilespmem:$0x10420] =	vst v1  }
0x167: {  	v62 =	vld.idx.msk [tilespmem:v3+s31+$0x0], $0xffff;
	_ =	sdelay $0x4  }
0x168: {  	v1 =	vadd.f32 v62, v1;
	_ =	sdelay $0x1  }
0x169: {  	[tilespmem:$0x10420] =	vst v1  }
0x16a: {  	v63 =	vld.idx.msk [tilespmem:v5+s31+$0x0], $0xffff;
	_ =	sdelay $0x4  }
0x16b: {  	v1 =	vadd.f32 v63, v1;
	_ =	sdelay $0x1  }
0x16c: {  	v1 =	vmax.f32 v1, $1.000000000e+00  }
0x16d: {  	(erf) = vrcp.f32 v1;
	_ =	sdelay $0x7  }
0x16e: {  	v0 =	vadd.f32 v60, v0  }
0x16f: {  	v1 =	vpop (erf)  }
0x170: {  	v0 =	vmul.f32 v1, v0;
	_ =	sdelay $0x1  }
0x171: {  	p0 =	sne.s32 s2, $0x0;
	[tilespmem:$0x103A0] =	vst v0  }
0x172: {  	_ =	sfence.sel @p0 $0x180000  }
0x173: {  	[bflag:$0x0] =	sbarrier.arrive @p0 $0xFFFF  }
0x174: {  	_ =	strace @p0 $0x90000047  }
0x175: {  	s2 =	simm.s32 @!p0 $0x0;
	s3 =	simm.s32 @!p0 $0x103A0;
	[bflag:$0x2] =	sbarrier.arrive @p0 $0xFFFF  }
0x176: {  	[hbm4b:s1+s2] =	stream.linear.scatter @!p0 [tilespmem:s3], [sflag:$0x2], $0x80, $0x38;
	[tilespmem:$0x104A0] =	vst v63  }
0x177: {  	s1 =	simm.s32 @!p0 $0x2  }
0x178: {  	_ =	swait.ge @!p0 [sflag:s1], $0x80  }
0x179: {  	[sflag:s1] =	ssyncset.done @!p0 $0x0  }
0x17a: {  	[sflag:s1] =	ssyncadd.s32 @!p0 $0xFFFFFF80  }
0x17b: {  	_ =	sfence.sel @!p0 $0x180000  }
0x17c: {  	[bflag:$0x0] =	sbarrier.arrive @!p0 $0xFFFF  }
0x17d: {  	_ =	strace @!p0 $0x90000047  }
0x17e: {  	s0 =	sadd.s32 @!p0 $0x100000, s0;
	[bflag:$0x2] =	sbarrier.arrive @!p0 $0xFFFF  }
0x17f: {  	[sflag:s0] =	ssyncadd.tile.s32 @!p0 $0x1;
	_ =	shalt  }
.Lfunc_end2:
_tile_overlayer_lowered:
.L_overlay_start_2:
0x180: {  	(tag) =	ssettag $0x2  }
0x181: {  	s0 =	rddreg [dreg:$0x0];
	s2 =	stileid.u32  }
0x182: {  	s1 =	rddreg [dreg:$0x1];
	p0 =	sne.s32 s2, $0x0  }
0x183: {  	s3 =	rddreg [dreg:$0x2];
	[bflag:$0x3] =	sbarrier.arrive $0xFFFF;
	s2 =	simm.s32 @!p0 $0x1C02  }
0x184: {  	[timem:s3], [sflag:s2] =	dma.local @!p0 [hbm:s0], s1  }
0x185: {  	s0 =	simm.s32 @!p0 $0x2  }
0x186: {  	_ =	swait.ge @!p0 [sflag:s0], s1  }
0x187: {  	s1 =	ssub.s32 @!p0 $0x0, s1;
	[sflag:s0] =	ssyncset.done @!p0 $0x0  }
0x188: {  	[sflag:s0] =	ssyncadd.s32 @!p0 s1  }
0x189: {  	[bflag:$0x3] =	sbarrier.arrive $0xFFFF  }
0x18a: {  	_ =	shalt  }

</sc_bundles>
